<compile_context>
chip_gen: v7x
topology: tpu7x:2x2x1
jax: 0.10.2.dev20260603
libtpu: 0.0.44.dev20260713+nightly
codegen_flags: <defaults>
</compile_context>

<pallas_src>
import functools

import jax
import jax.numpy as jnp
from jax import lax
from jax.experimental import pallas as pl
from jax.experimental.pallas import tpu as pltpu
from jax.experimental.pallas import tpu_sc as plsc

N = 100000
M = 10475
J = 55
EXPR = 50
C = 32
H = 64
POSE_DIM = 63 + 3 + 3 + 3 + 45 + 45 + EXPR

BQ = 800
MP = 10496
MB = 1536
NCH = 7
PAD_VAL = 1e17

NW = 32
CHUNK_ROWS = 128
TOT_CH = 782
NPAD_OUT = TOT_CH * CHUNK_ROWS
BASE_CH = TOT_CH // NW
EXTRA_CH = TOT_CH - BASE_CH * NW
LR_PAD = 10480
DPAD = 128


def _tc_body(pose_ref, wpose_ref, e_ref, w1_ref, b1_ref, wmo_ref, wso_ref,
             refs_ref, tri_ref, sp_ref, rgb_ref, m3_ref, dirs_ref,
             isr_ref, isl_ref, isf_ref,
             mo_out, sc_out, rgb_out, mr_out, sr_out, nnj_out):
    f32 = jnp.float32
    hi = lax.Precision.HIGHEST
    pose_emb = jnp.tanh(jnp.dot(pose_ref[...], wpose_ref[...],
                                precision=hi, preferred_element_type=f32))
    h = jnp.maximum(
        jnp.dot(tri_ref[...] + pose_emb, w1_ref[...],
                preferred_element_type=f32) + b1_ref[...], 0.0)
    mo = jnp.dot(h, wmo_ref[...], preferred_element_type=f32)
    so = jnp.dot(h, wso_ref[...], preferred_element_type=f32)
    sp = sp_ref[...]
    sc_out[...] = jnp.broadcast_to(jnp.exp(sp), (BQ, 3))
    sr_out[...] = jnp.broadcast_to(jnp.exp(sp + so), (BQ, 3))
    rgb_out[...] = (jnp.tanh(rgb_ref[...]) + 1.0) / 2.0
    eo = jnp.dot(dirs_ref[...], e_ref[...],
                 precision=hi, preferred_element_type=f32)
    m3 = m3_ref[...]
    q = m3 + eo
    mo_out[...] = q
    mr_out[...] = (m3 + mo) + eo
    msk = (isr_ref[...] + isl_ref[...] + isf_ref[...]) > 0
    qx = q[:, 0:1]
    qy = q[:, 1:2]
    qz = q[:, 2:3]

    MBL = MP - MB * (NCH - 1)
    bk = None
    bk2 = None
    for c in range(NCH):
        w = MB if c < NCH - 1 else MBL
        r = refs_ref[:, c * MB:c * MB + w]
        dx = qx - r[0:1, :]
        dy = qy - r[1:2, :]
        dz = qz - r[2:3, :]
        d = (dx * dx + dy * dy) + dz * dz
        di = lax.bitcast_convert_type(d, jnp.int32)
        keyf = lax.bitcast_convert_type((di & jnp.int32(-8)) | c, f32)
        if c < NCH - 1:
            bk = keyf if bk is None else jnp.minimum(bk, keyf)
        else:
            bk2 = keyf
    kmin = jnp.minimum(jnp.min(bk, axis=1, keepdims=True),
                       jnp.min(bk2, axis=1, keepdims=True))
    big = jnp.float32(3.0e9)
    lane1 = lax.broadcasted_iota(jnp.int32, (BQ, MB), 1).astype(f32)
    lane2 = lax.broadcasted_iota(jnp.int32, (BQ, MBL), 1).astype(f32)
    l1 = jnp.min(jnp.where(bk == kmin, lane1, big), axis=1, keepdims=True)
    l2 = jnp.min(jnp.where(bk2 == kmin, lane2, big), axis=1, keepdims=True)
    lmin = jnp.minimum(l1, l2).astype(jnp.int32)
    ki = lax.bitcast_convert_type(kmin, jnp.int32)
    j = (ki & 7) * MB + lmin
    gi = (lax.broadcasted_iota(jnp.int32, (BQ, 1), 0)
          + pl.program_id(0) * BQ)
    nnj_out[...] = jnp.where(msk, ~gi, j)


def _tc_call(pose2d, W_pose, E, W1, b1_2d, W_mo, W_so, refs_c,
             tri_feat, scale_param, rgb_param, mean_3d, dirs, isr, isl, isf):
    f32 = jnp.float32
    i32 = jnp.int32
    g = N // BQ
    const = lambda *shape: pl.BlockSpec(shape, lambda i: (0,) * len(shape))
    row = lambda d: pl.BlockSpec((BQ, d), lambda i: (i, 0))
    return pl.pallas_call(
        _tc_body,
        grid=(g,),
        in_specs=[
            const(1, POSE_DIM),
            const(POSE_DIM, C),
            const(3 * EXPR, 3),
            const(C, H),
            const(1, H),
            const(H, 3),
            const(H, 1),
            const(3, MP),
            row(C),
            row(1),
            row(3),
            row(3),
            row(3 * EXPR),
            row(1),
            row(1),
            row(1),
        ],
        out_specs=[row(3), row(3), row(3), row(3), row(3), row(1)],
        out_shape=[
            jax.ShapeDtypeStruct((N, 3), f32),
            jax.ShapeDtypeStruct((N, 3), f32),
            jax.ShapeDtypeStruct((N, 3), f32),
            jax.ShapeDtypeStruct((N, 3), f32),
            jax.ShapeDtypeStruct((N, 3), f32),
            jax.ShapeDtypeStruct((N, 1), i32),
        ],
    )(pose2d, W_pose, E, W1, b1_2d, W_mo, W_so, refs_c,
      tri_feat, scale_param, rgb_param, mean_3d, dirs, isr, isl, isf)


def _sc_gather(knn_flat, lr_pad, table_pad):
    mesh = plsc.VectorSubcoreMesh(core_axis_name="c", subcore_axis_name="s")

    @functools.partial(
        pl.kernel,
        mesh=mesh,
        out_type=jax.ShapeDtypeStruct((NPAD_OUT, DPAD), jnp.float32),
        scratch_types=[
            pltpu.VMEM((CHUNK_ROWS,), jnp.int32),
            pltpu.VMEM((CHUNK_ROWS,), jnp.int32),
            pltpu.VMEM((CHUNK_ROWS,), jnp.int32),
            pltpu.VMEM((CHUNK_ROWS,), jnp.int32),
            pltpu.VMEM((CHUNK_ROWS, DPAD), jnp.float32),
            pltpu.SemaphoreType.DMA,
        ],
    )
    def _sc(knn_hbm, lr_hbm, tab_hbm, out_hbm,
            knnv, hrv, gidxv, selv, rowsv, sem):
        wid = lax.axis_index("s") * 2 + lax.axis_index("c")
        nch = jnp.where(wid < EXTRA_CH, BASE_CH + 1, BASE_CH)
        cbase = wid * BASE_CH + jnp.minimum(wid, EXTRA_CH)

        def chunk_body(k, carry):
            row0 = (cbase + k) * CHUNK_ROWS
            pltpu.sync_copy(knn_hbm.at[pl.ds(row0, CHUNK_ROWS)], knnv)
            for v in range(CHUNK_ROWS // 16):
                sl = pl.ds(v * 16, 16)
                gidxv[sl] = jnp.maximum(knnv[sl], 0)
            pltpu.async_copy(lr_hbm.at[gidxv], hrv, sem).wait()
            for v in range(CHUNK_ROWS // 16):
                sl = pl.ds(v * 16, 16)
                p = knnv[sl]
                selv[sl] = jnp.where(p < 0, ~p, hrv[sl])
            pltpu.async_copy(tab_hbm.at[selv], rowsv, sem).wait()
            pltpu.sync_copy(rowsv, out_hbm.at[pl.ds(row0, CHUNK_ROWS)])
            return carry

        lax.fori_loop(0, nch, chunk_body, 0)

    return _sc(knn_flat, lr_pad, table_pad)


def kernel(body_pose, jaw_pose, leye_pose, reye_pose, lhand_pose, rhand_pose,
           expr, tri_feat, scale_param, rgb_param, mean_3d, expr_dirs,
           skinning_weight, joint_zero_pose, transform_mat_neutral_pose,
           mesh_neutral_pose_wo_upsample, parents, lr_to_hr,
           is_rhand, is_lhand, is_face, W_pose, W1, b1, W_mo, W_so):
    f32 = jnp.float32
    pose2d = jnp.concatenate([body_pose, jaw_pose, leye_pose, reye_pose,
                              lhand_pose, rhand_pose, expr])[None, :]
    ec = expr[:, None].astype(f32)
    z = jnp.zeros((EXPR, 1), f32)
    E = jnp.concatenate([
        jnp.concatenate([ec, z, z], axis=1),
        jnp.concatenate([z, ec, z], axis=1),
        jnp.concatenate([z, z, ec], axis=1),
    ], axis=0)
    refs_p = jnp.pad(mesh_neutral_pose_wo_upsample, ((0, MP - M), (0, 0)),
                     constant_values=PAD_VAL)
    refs_c = refs_p.T
    dirs = expr_dirs.reshape(N, 3 * EXPR)
    isr = is_rhand.astype(jnp.int32)[:, None]
    isl = is_lhand.astype(jnp.int32)[:, None]
    isf = is_face.astype(jnp.int32)[:, None]

    (mean_out, scale, rgb, mean_refined, scale_refined, nnj) = _tc_call(
        pose2d, W_pose, E, W1, b1[None, :], W_mo, W_so, refs_c,
        tri_feat, scale_param, rgb_param, mean_3d, dirs, isr, isl, isf)

    knn_flat = jnp.pad(nnj[:, 0], (0, NPAD_OUT - N))
    lr_pad = jnp.pad(lr_to_hr.astype(jnp.int32), (0, LR_PAD - M))
    tab = jnp.pad(skinning_weight, ((0, 0), (0, DPAD - J)))
    skin = _sc_gather(knn_flat, lr_pad, tab)[:N, :J]

    opacity = jnp.ones((N, 1), f32)
    rotation = jnp.tile(jnp.array([1.0, 0.0, 0.0, 0.0], f32)[None, :], (N, 1))
    return (mean_out, opacity, scale, rotation, rgb, mean_refined,
            scale_refined, joint_zero_pose, transform_mat_neutral_pose,
            parents, skin)

# --- scband reference (transcript-rebuilt; emitter-appended) ---
"""Pipeline reference for scband-model-wrapper-67242007986223 (READ-ONLY COPY).

The authoritative reference and input builder live on the scoring server;
editing this copy changes nothing except your own understanding.
"""

import jax, jax.numpy as jnp
import numpy as np

N = 100000   # smpl_x.vertex_num_upsampled (upsampled gaussian count)
M = 10475    # SMPL-X base mesh vertex count (mesh_neutral_pose_wo_upsample)
J = 55       # SMPL-X joints
EXPR = 50    # expression coefficient dim
C = 32       # tri-plane feature dim
H = 64       # geo-net hidden dim
CHUNK = 2500
POSE_DIM = 63 + 3 + 3 + 3 + 45 + 45 + EXPR


def _knn_idx(q, refs):
    # brute-force K=1 knn_points, chunked over queries to bound memory
    def chunk_fn(qc):
        d = jnp.sum((qc[:, None, :] - refs[None, :, :]) ** 2, axis=-1)
        return jnp.argmin(d, axis=1)
    qr = q.reshape(q.shape[0] // CHUNK, CHUNK, 3)
    return jax.lax.map(chunk_fn, qr).reshape(-1)


def setup_inputs(seed: int = 0):
    key = jax.random.key(seed)
    ks = jax.random.split(key, 24)
    inp = {}
    # forward args (smplx_keys order)
    inp["body_pose"] = jax.random.normal(ks[0], (63,), jnp.float32) * 0.1
    inp["jaw_pose"] = jax.random.normal(ks[1], (3,), jnp.float32) * 0.1
    inp["leye_pose"] = jax.random.normal(ks[2], (3,), jnp.float32) * 0.1
    inp["reye_pose"] = jax.random.normal(ks[3], (3,), jnp.float32) * 0.1
    inp["lhand_pose"] = jax.random.normal(ks[4], (45,), jnp.float32) * 0.1
    inp["rhand_pose"] = jax.random.normal(ks[5], (45,), jnp.float32) * 0.1
    inp["expr"] = jax.random.normal(ks[6], (EXPR,), jnp.float32) * 0.1
    # registered buffers / learned parameters
    inp["tri_feat"] = jax.random.normal(ks[7], (N, C), jnp.float32)
    inp["scale_param"] = jax.random.normal(ks[8], (N, 1), jnp.float32) * 0.1 - 4.0
    inp["rgb_param"] = jax.random.normal(ks[9], (N, 3), jnp.float32)
    inp["mean_3d"] = jax.random.normal(ks[10], (N, 3), jnp.float32)
    inp["expr_dirs"] = jax.random.normal(ks[11], (N, 3, EXPR), jnp.float32) * 0.01
    inp["skinning_weight"] = jax.nn.softmax(jax.random.normal(ks[12], (N, J), jnp.float32), axis=-1)
    inp["joint_zero_pose"] = jax.random.normal(ks[13], (J, 3), jnp.float32)
    inp["transform_mat_neutral_pose"] = jnp.tile(jnp.eye(4, dtype=jnp.float32)[None], (J, 1, 1))
    inp["mesh_neutral_pose_wo_upsample"] = jax.random.normal(ks[14], (M, 3), jnp.float32)
    inp["parents"] = jnp.concatenate([jnp.array([0], jnp.int32), jax.random.randint(ks[15], (J - 1,), 0, J - 1)])
    inp["lr_to_hr"] = jax.random.randint(ks[16], (M,), 0, N)
    hand_face = jax.random.randint(ks[17], (N,), 0, 10)
    inp["is_rhand"] = (hand_face == 0)
    inp["is_lhand"] = (hand_face == 1)
    inp["is_face"] = (hand_face == 2)
    # surrogate geo/offset network weights
    inp["W_pose"] = jax.random.normal(ks[18], (POSE_DIM, C), jnp.float32) * 0.05
    inp["W1"] = jax.random.normal(ks[19], (C, H), jnp.float32) * 0.1
    inp["b1"] = jnp.zeros((H,), jnp.float32)
    inp["W_mo"] = jax.random.normal(ks[20], (H, 3), jnp.float32) * 0.01
    inp["W_so"] = jax.random.normal(ks[21], (H, 1), jnp.float32) * 0.01
    return inp


def reference(body_pose, jaw_pose, leye_pose, reye_pose, lhand_pose, rhand_pose, expr,
              tri_feat, scale_param, rgb_param, mean_3d, expr_dirs, skinning_weight,
              joint_zero_pose, transform_mat_neutral_pose, mesh_neutral_pose_wo_upsample,
              parents, lr_to_hr, is_rhand, is_lhand, is_face,
              W_pose, W1, b1, W_mo, W_so):
    # forward_geo_network(tri_feat, smplx_param): pose-conditioned geo features
    pose_vec = jnp.concatenate([body_pose, jaw_pose, leye_pose, reye_pose, lhand_pose, rhand_pose, expr])
    pose_emb = jnp.tanh(pose_vec @ W_pose)
    geo_feat = jax.nn.relu((tri_feat + pose_emb[None, :]) @ W1 + b1)
    mean_offset_offset = geo_feat @ W_mo
    scale_offset = geo_feat @ W_so
    # scale and refined scale
    scale = jnp.tile(jnp.exp(scale_param), (1, 3))
    scale_refined = jnp.tile(jnp.exp(scale_param + scale_offset), (1, 3))
    # get_mean_offset_offset -> combined offset (surrogate: identity combination)
    mean_combined_offset = mean_offset_offset
    mean_3d_refined = mean_3d + mean_combined_offset
    # expression blendshape offset
    smplx_expr_offset = jnp.sum(expr[None, None, :] * expr_dirs, axis=2)
    mean_3d_out = mean_3d + smplx_expr_offset
    mean_3d_refined = mean_3d_refined + smplx_expr_offset
    # knn_points K=1: nearest low-res mesh vertex for every gaussian
    nn_idx = _knn_idx(mean_3d_out, mesh_neutral_pose_wo_upsample)
    # lr_idx_to_hr_idx lookup
    nn_idx = jnp.take(lr_to_hr, nn_idx)
    mask = (is_rhand.astype(jnp.int32) + is_lhand.astype(jnp.int32) + is_face.astype(jnp.int32)) > 0
    updates = jnp.arange(N, dtype=nn_idx.dtype)
    nn_idx = jnp.where(mask, updates, nn_idx)
    rgb = (jnp.tanh(rgb_param) + 1.0) / 2.0
    # matrix_to_quaternion(eye(3)) == identity quaternion
    rotation = jnp.tile(jnp.array([1.0, 0.0, 0.0, 0.0], jnp.float32)[None, :], (N, 1))
    opacity = jnp.ones((N, 1), jnp.float32)
    skin = jnp.take(skinning_weight, nn_idx, axis=0)
    return (mean_3d_out, opacity, scale, rotation, rgb, mean_3d_refined, scale_refined,
            joint_zero_pose, transform_mat_neutral_pose, parents, skin)

if __name__ == "__main__":
    import jax
    _d = setup_inputs()
    print(jax.jit(kernel)(*tuple(_d.values())))

</pallas_src>

<mosaic_0001>
#map = affine_map<(d0, d1) -> (0)>
#map1 = affine_map<(d0, d1) -> (0, 0)>
module attributes {stable_mosaic.version = 14 : i64} {
  func.func @_sc(%arg0: i32, %arg1: i32, %arg2: memref<100096xi32, #tpu.memory_space<hbm>>, %arg3: memref<10480xi32, #tpu.memory_space<hbm>>, %arg4: memref<100000x128xf32, #tpu.memory_space<hbm>>, %arg5: memref<100096x128xf32, #tpu.memory_space<hbm>>, %arg6: memref<128xi32, #tpu.memory_space<vmem>>, %arg7: memref<128xi32, #tpu.memory_space<vmem>>, %arg8: memref<128xi32, #tpu.memory_space<vmem>>, %arg9: memref<128xi32, #tpu.memory_space<vmem>>, %arg10: memref<128x128xf32, #tpu.memory_space<vmem>>, %arg11: memref<!tpu.dma_semaphore, #tpu.memory_space<semaphore_mem>>) attributes {dimension_semantics = [#tpu.dimension_semantics<core_parallel>, #tpu.dimension_semantics<subcore_parallel>], iteration_bounds = array<i64: 2, 16>, scalar_prefetch = 0 : i64, scratch_operands = 6 : i64, tpu.core_type = #tpu.core_type<sc_vector_subcore>, window_params = [{transform_indices = #map}, {transform_indices = #map}, {transform_indices = #map1}, {transform_indices = #map1}]} {
    %mul3A = arith.constant 2 : i32
    %mul3A_0 = arith.muli %arg1, %mul3A : i32
    %add3A = arith.addi %mul3A_0, %arg0 : i32
    %lt3A = arith.constant 14 : i32
    %lt3A_1 = arith.cmpi slt, %add3A, %lt3A : i32
    %jit3A = arith.constant 25 : i32
    %jit3A_2 = arith.constant 24 : i32
    %select_n3A = arith.select %lt3A_1, %jit3A, %jit3A_2 : i32
    %mul3A_3 = arith.constant 24 : i32
    %mul3A_4 = arith.muli %add3A, %mul3A_3 : i32
    %min3A = arith.constant 14 : i32
    %min3A_5 = arith.minsi %add3A, %min3A : i32
    %add3A_6 = arith.addi %mul3A_4, %min3A_5 : i32
    %while3A = arith.constant 0 : i32
    %while3A_7 = arith.constant 0 : i32
    %while3A_8 = arith.subi %select_n3A, %while3A_7 : i32
    %while3A_9 = arith.addi %while3A_7, %while3A_8 : i32
    %while3A_10 = arith.constant 1 : i32
    %while3A_11 = arith.divsi %while3A_8, %while3A_10 : i32
    %while3A_12 = arith.muli %while3A_11, %while3A_10 : i32
    %while3A_13 = arith.addi %while3A_7, %while3A_12 : i32
    %while3A_14 = arith.constant 1 : i32
    scf.for %while3A_16 = %while3A_7 to %while3A_13 step %while3A_14  : i32 {
      %add3A_17 = arith.addi %add3A_6, %while3A_16 : i32
      %mul3A_18 = arith.constant 128 : i32
      %mul3A_19 = arith.muli %add3A_17, %mul3A_18 : i32
      "tpu.region"() ({
        %run_scoped3A = tpu.sem_alloc : memref<!tpu.dma_semaphore, #tpu.memory_space<semaphore_mem>>
        %dma_start3A_232 = tpu.memref_slice %arg2[%mul3A_19] : memref<100096xi32, #tpu.memory_space<hbm>> -> memref<128xi32, #tpu.memory_space<hbm>>
        %dma_start3A_233 = tpu.memref_slice %arg2[%mul3A_19] : memref<100096xi32, #tpu.memory_space<hbm>> -> memref<128xi32, #tpu.memory_space<hbm>>
        tpu.enqueue_dma source(%dma_start3A_233 : memref<128xi32, #tpu.memory_space<hbm>>) target(%arg6 : memref<128xi32, #tpu.memory_space<vmem>>) target_semaphore(%run_scoped3A : memref<!tpu.dma_semaphore, #tpu.memory_space<semaphore_mem>>)
        %dma_wait3A_234 = tpu.memref_slice %arg2[%mul3A_19] : memref<100096xi32, #tpu.memory_space<hbm>> -> memref<128xi32, #tpu.memory_space<hbm>>
        %dma_wait3A_235 = tpu.memref_slice %arg2[%mul3A_19] : memref<100096xi32, #tpu.memory_space<hbm>> -> memref<128xi32, #tpu.memory_space<hbm>>
        tpu.wait_dma2 semaphore(%run_scoped3A : memref<!tpu.dma_semaphore, #tpu.memory_space<semaphore_mem>>) src(%dma_wait3A_235 : memref<128xi32, #tpu.memory_space<hbm>>) dst(%arg6 : memref<128xi32, #tpu.memory_space<vmem>>)
        tpu.yield
      }) : () -> ()
      %get3A = arith.constant 0 : index
      %get3A_20 = tpu.vector_load %arg6[%get3A] {strides = array<i32>} : memref<128xi32, #tpu.memory_space<vmem>>, vector<16xi32>,
      %get3A_21 = vector.shape_cast %get3A_20 : vector<16xi32> to vector<16xi32>
      %max3A = arith.constant 0 : i32
      %max3A_22 = vector.broadcast %max3A : i32 to vector<16xi32>
      %max3A_23 = arith.maxsi %get3A_21, %max3A_22 : vector<16xi32>
      %swap3A = arith.constant 0 : index
      %swap3A_24 = tpu.vector_load %arg8[%swap3A] {strides = array<i32>} : memref<128xi32, #tpu.memory_space<vmem>>, vector<16xi32>,
      %swap3A_25 = vector.shape_cast %swap3A_24 : vector<16xi32> to vector<16xi32>
      %swap3A_26 = vector.shape_cast %max3A_23 : vector<16xi32> to vector<16xi32>
      tpu.vector_store %arg8[%swap3A], %swap3A_26 {strides = array<i32>} : memref<128xi32, #tpu.memory_space<vmem>>, vector<16xi32>,
      %get3A_27 = arith.constant 16 : index
      %get3A_28 = tpu.vector_load %arg6[%get3A_27] {strides = array<i32>} : memref<128xi32, #tpu.memory_space<vmem>>, vector<16xi32>,
      %get3A_29 = vector.shape_cast %get3A_28 : vector<16xi32> to vector<16xi32>
      %max3A_30 = arith.constant 0 : i32
      %max3A_31 = vector.broadcast %max3A_30 : i32 to vector<16xi32>
      %max3A_32 = arith.maxsi %get3A_29, %max3A_31 : vector<16xi32>
      %swap3A_33 = arith.constant 16 : index
      %swap3A_34 = tpu.vector_load %arg8[%swap3A_33] {strides = array<i32>} : memref<128xi32, #tpu.memory_space<vmem>>, vector<16xi32>,
      %swap3A_35 = vector.shape_cast %swap3A_34 : vector<16xi32> to vector<16xi32>
      %swap3A_36 = vector.shape_cast %max3A_32 : vector<16xi32> to vector<16xi32>
      tpu.vector_store %arg8[%swap3A_33], %swap3A_36 {strides = array<i32>} : memref<128xi32, #tpu.memory_space<vmem>>, vector<16xi32>,
      %get3A_37 = arith.constant 32 : index
      %get3A_38 = tpu.vector_load %arg6[%get3A_37] {strides = array<i32>} : memref<128xi32, #tpu.memory_space<vmem>>, vector<16xi32>,
      %get3A_39 = vector.shape_cast %get3A_38 : vector<16xi32> to vector<16xi32>
      %max3A_40 = arith.constant 0 : i32
      %max3A_41 = vector.broadcast %max3A_40 : i32 to vector<16xi32>
      %max3A_42 = arith.maxsi %get3A_39, %max3A_41 : vector<16xi32>
      %swap3A_43 = arith.constant 32 : index
      %swap3A_44 = tpu.vector_load %arg8[%swap3A_43] {strides = array<i32>} : memref<128xi32, #tpu.memory_space<vmem>>, vector<16xi32>,
      %swap3A_45 = vector.shape_cast %swap3A_44 : vector<16xi32> to vector<16xi32>
      %swap3A_46 = vector.shape_cast %max3A_42 : vector<16xi32> to vector<16xi32>
      tpu.vector_store %arg8[%swap3A_43], %swap3A_46 {strides = array<i32>} : memref<128xi32, #tpu.memory_space<vmem>>, vector<16xi32>,
      %get3A_47 = arith.constant 48 : index
      %get3A_48 = tpu.vector_load %arg6[%get3A_47] {strides = array<i32>} : memref<128xi32, #tpu.memory_space<vmem>>, vector<16xi32>,
      %get3A_49 = vector.shape_cast %get3A_48 : vector<16xi32> to vector<16xi32>
      %max3A_50 = arith.constant 0 : i32
      %max3A_51 = vector.broadcast %max3A_50 : i32 to vector<16xi32>
      %max3A_52 = arith.maxsi %get3A_49, %max3A_51 : vector<16xi32>
      %swap3A_53 = arith.constant 48 : index
      %swap3A_54 = tpu.vector_load %arg8[%swap3A_53] {strides = array<i32>} : memref<128xi32, #tpu.memory_space<vmem>>, vector<16xi32>,
      %swap3A_55 = vector.shape_cast %swap3A_54 : vector<16xi32> to vector<16xi32>
      %swap3A_56 = vector.shape_cast %max3A_52 : vector<16xi32> to vector<16xi32>
      tpu.vector_store %arg8[%swap3A_53], %swap3A_56 {strides = array<i32>} : memref<128xi32, #tpu.memory_space<vmem>>, vector<16xi32>,
      %get3A_57 = arith.constant 64 : index
      %get3A_58 = tpu.vector_load %arg6[%get3A_57] {strides = array<i32>} : memref<128xi32, #tpu.memory_space<vmem>>, vector<16xi32>,
      %get3A_59 = vector.shape_cast %get3A_58 : vector<16xi32> to vector<16xi32>
      %max3A_60 = arith.constant 0 : i32
      %max3A_61 = vector.broadcast %max3A_60 : i32 to vector<16xi32>
      %max3A_62 = arith.maxsi %get3A_59, %max3A_61 : vector<16xi32>
      %swap3A_63 = arith.constant 64 : index
      %swap3A_64 = tpu.vector_load %arg8[%swap3A_63] {strides = array<i32>} : memref<128xi32, #tpu.memory_space<vmem>>, vector<16xi32>,
      %swap3A_65 = vector.shape_cast %swap3A_64 : vector<16xi32> to vector<16xi32>
      %swap3A_66 = vector.shape_cast %max3A_62 : vector<16xi32> to vector<16xi32>
      tpu.vector_store %arg8[%swap3A_63], %swap3A_66 {strides = array<i32>} : memref<128xi32, #tpu.memory_space<vmem>>, vector<16xi32>,
      %get3A_67 = arith.constant 80 : index
      %get3A_68 = tpu.vector_load %arg6[%get3A_67] {strides = array<i32>} : memref<128xi32, #tpu.memory_space<vmem>>, vector<16xi32>,
      %get3A_69 = vector.shape_cast %get3A_68 : vector<16xi32> to vector<16xi32>
      %max3A_70 = arith.constant 0 : i32
      %max3A_71 = vector.broadcast %max3A_70 : i32 to vector<16xi32>
      %max3A_72 = arith.maxsi %get3A_69, %max3A_71 : vector<16xi32>
      %swap3A_73 = arith.constant 80 : index
      %swap3A_74 = tpu.vector_load %arg8[%swap3A_73] {strides = array<i32>} : memref<128xi32, #tpu.memory_space<vmem>>, vector<16xi32>,
      %swap3A_75 = vector.shape_cast %swap3A_74 : vector<16xi32> to vector<16xi32>
      %swap3A_76 = vector.shape_cast %max3A_72 : vector<16xi32> to vector<16xi32>
      tpu.vector_store %arg8[%swap3A_73], %swap3A_76 {strides = array<i32>} : memref<128xi32, #tpu.memory_space<vmem>>, vector<16xi32>,
      %get3A_77 = arith.constant 96 : index
      %get3A_78 = tpu.vector_load %arg6[%get3A_77] {strides = array<i32>} : memref<128xi32, #tpu.memory_space<vmem>>, vector<16xi32>,
      %get3A_79 = vector.shape_cast %get3A_78 : vector<16xi32> to vector<16xi32>
      %max3A_80 = arith.constant 0 : i32
      %max3A_81 = vector.broadcast %max3A_80 : i32 to vector<16xi32>
      %max3A_82 = arith.maxsi %get3A_79, %max3A_81 : vector<16xi32>
      %swap3A_83 = arith.constant 96 : index
      %swap3A_84 = tpu.vector_load %arg8[%swap3A_83] {strides = array<i32>} : memref<128xi32, #tpu.memory_space<vmem>>, vector<16xi32>,
      %swap3A_85 = vector.shape_cast %swap3A_84 : vector<16xi32> to vector<16xi32>
      %swap3A_86 = vector.shape_cast %max3A_82 : vector<16xi32> to vector<16xi32>
      tpu.vector_store %arg8[%swap3A_83], %swap3A_86 {strides = array<i32>} : memref<128xi32, #tpu.memory_space<vmem>>, vector<16xi32>,
      %get3A_87 = arith.constant 112 : index
      %get3A_88 = tpu.vector_load %arg6[%get3A_87] {strides = array<i32>} : memref<128xi32, #tpu.memory_space<vmem>>, vector<16xi32>,
      %get3A_89 = vector.shape_cast %get3A_88 : vector<16xi32> to vector<16xi32>
      %max3A_90 = arith.constant 0 : i32
      %max3A_91 = vector.broadcast %max3A_90 : i32 to vector<16xi32>
      %max3A_92 = arith.maxsi %get3A_89, %max3A_91 : vector<16xi32>
      %swap3A_93 = arith.constant 112 : index
      %swap3A_94 = tpu.vector_load %arg8[%swap3A_93] {strides = array<i32>} : memref<128xi32, #tpu.memory_space<vmem>>, vector<16xi32>,
      %swap3A_95 = vector.shape_cast %swap3A_94 : vector<16xi32> to vector<16xi32>
      %swap3A_96 = vector.shape_cast %max3A_92 : vector<16xi32> to vector<16xi32>
      tpu.vector_store %arg8[%swap3A_93], %swap3A_96 {strides = array<i32>} : memref<128xi32, #tpu.memory_space<vmem>>, vector<16xi32>,
      %dma_start3A = arith.constant 0 : i32
      %dma_start3A_97 = tpu.memref_slice %arg3[%dma_start3A] : memref<10480xi32, #tpu.memory_space<hbm>> -> memref<10480xi32, #tpu.memory_space<hbm>>
      tpu.enqueue_indirect_dma source(%dma_start3A_97 : memref<10480xi32, #tpu.memory_space<hbm>>) target(%arg7 : memref<128xi32, #tpu.memory_space<vmem>>) offsets(%arg8 : memref<128xi32, #tpu.memory_space<vmem>>) semaphore(%arg11 : memref<!tpu.dma_semaphore, #tpu.memory_space<semaphore_mem>>)
      %dma_wait3A = arith.constant 0 : i32
      %dma_wait3A_98 = tpu.memref_slice %arg3[%dma_wait3A] : memref<10480xi32, #tpu.memory_space<hbm>> -> memref<10480xi32, #tpu.memory_space<hbm>>
      tpu.wait_indirect_dma semaphore(%arg11 : memref<!tpu.dma_semaphore, #tpu.memory_space<semaphore_mem>>) src(%dma_wait3A_98 : memref<10480xi32, #tpu.memory_space<hbm>>) dst(%arg7 : memref<128xi32, #tpu.memory_space<vmem>>)
      %get3A_99 = arith.constant 0 : index
      %get3A_100 = tpu.vector_load %arg6[%get3A_99] {strides = array<i32>} : memref<128xi32, #tpu.memory_space<vmem>>, vector<16xi32>,
      %get3A_101 = vector.shape_cast %get3A_100 : vector<16xi32> to vector<16xi32>
      %lt3A_102 = arith.constant 0 : i32
      %lt3A_103 = vector.broadcast %lt3A_102 : i32 to vector<16xi32>
      %lt3A_104 = arith.cmpi slt, %get3A_101, %lt3A_103 : vector<16xi32>
      %not3A = arith.constant dense<-1> : vector<16xi32>
      %not3A_105 = arith.xori %get3A_101, %not3A : vector<16xi32>
      %get3A_106 = arith.constant 0 : index
      %get3A_107 = tpu.vector_load %arg7[%get3A_106] {strides = array<i32>} : memref<128xi32, #tpu.memory_space<vmem>>, vector<16xi32>,
      %get3A_108 = vector.shape_cast %get3A_107 : vector<16xi32> to vector<16xi32>
      %select_n3A_109 = arith.select %lt3A_104, %not3A_105, %get3A_108 : vector<16xi1>, vector<16xi32>
      %swap3A_110 = arith.constant 0 : index
      %swap3A_111 = tpu.vector_load %arg9[%swap3A_110] {strides = array<i32>} : memref<128xi32, #tpu.memory_space<vmem>>, vector<16xi32>,
      %swap3A_112 = vector.shape_cast %swap3A_111 : vector<16xi32> to vector<16xi32>
      %swap3A_113 = vector.shape_cast %select_n3A_109 : vector<16xi32> to vector<16xi32>
      tpu.vector_store %arg9[%swap3A_110], %swap3A_113 {strides = array<i32>} : memref<128xi32, #tpu.memory_space<vmem>>, vector<16xi32>,
      %get3A_114 = arith.constant 16 : index
      %get3A_115 = tpu.vector_load %arg6[%get3A_114] {strides = array<i32>} : memref<128xi32, #tpu.memory_space<vmem>>, vector<16xi32>,
      %get3A_116 = vector.shape_cast %get3A_115 : vector<16xi32> to vector<16xi32>
      %lt3A_117 = arith.constant 0 : i32
      %lt3A_118 = vector.broadcast %lt3A_117 : i32 to vector<16xi32>
      %lt3A_119 = arith.cmpi slt, %get3A_116, %lt3A_118 : vector<16xi32>
      %not3A_120 = arith.constant dense<-1> : vector<16xi32>
      %not3A_121 = arith.xori %get3A_116, %not3A_120 : vector<16xi32>
      %get3A_122 = arith.constant 16 : index
      %get3A_123 = tpu.vector_load %arg7[%get3A_122] {strides = array<i32>} : memref<128xi32, #tpu.memory_space<vmem>>, vector<16xi32>,
      %get3A_124 = vector.shape_cast %get3A_123 : vector<16xi32> to vector<16xi32>
      %select_n3A_125 = arith.select %lt3A_119, %not3A_121, %get3A_124 : vector<16xi1>, vector<16xi32>
      %swap3A_126 = arith.constant 16 : index
      %swap3A_127 = tpu.vector_load %arg9[%swap3A_126] {strides = array<i32>} : memref<128xi32, #tpu.memory_space<vmem>>, vector<16xi32>,
      %swap3A_128 = vector.shape_cast %swap3A_127 : vector<16xi32> to vector<16xi32>
      %swap3A_129 = vector.shape_cast %select_n3A_125 : vector<16xi32> to vector<16xi32>
      tpu.vector_store %arg9[%swap3A_126], %swap3A_129 {strides = array<i32>} : memref<128xi32, #tpu.memory_space<vmem>>, vector<16xi32>,
      %get3A_130 = arith.constant 32 : index
      %get3A_131 = tpu.vector_load %arg6[%get3A_130] {strides = array<i32>} : memref<128xi32, #tpu.memory_space<vmem>>, vector<16xi32>,
      %get3A_132 = vector.shape_cast %get3A_131 : vector<16xi32> to vector<16xi32>
      %lt3A_133 = arith.constant 0 : i32
      %lt3A_134 = vector.broadcast %lt3A_133 : i32 to vector<16xi32>
      %lt3A_135 = arith.cmpi slt, %get3A_132, %lt3A_134 : vector<16xi32>
      %not3A_136 = arith.constant dense<-1> : vector<16xi32>
      %not3A_137 = arith.xori %get3A_132, %not3A_136 : vector<16xi32>
      %get3A_138 = arith.constant 32 : index
      %get3A_139 = tpu.vector_load %arg7[%get3A_138] {strides = array<i32>} : memref<128xi32, #tpu.memory_space<vmem>>, vector<16xi32>,
      %get3A_140 = vector.shape_cast %get3A_139 : vector<16xi32> to vector<16xi32>
      %select_n3A_141 = arith.select %lt3A_135, %not3A_137, %get3A_140 : vector<16xi1>, vector<16xi32>
      %swap3A_142 = arith.constant 32 : index
      %swap3A_143 = tpu.vector_load %arg9[%swap3A_142] {strides = array<i32>} : memref<128xi32, #tpu.memory_space<vmem>>, vector<16xi32>,
      %swap3A_144 = vector.shape_cast %swap3A_143 : vector<16xi32> to vector<16xi32>
      %swap3A_145 = vector.shape_cast %select_n3A_141 : vector<16xi32> to vector<16xi32>
      tpu.vector_store %arg9[%swap3A_142], %swap3A_145 {strides = array<i32>} : memref<128xi32, #tpu.memory_space<vmem>>, vector<16xi32>,
      %get3A_146 = arith.constant 48 : index
      %get3A_147 = tpu.vector_load %arg6[%get3A_146] {strides = array<i32>} : memref<128xi32, #tpu.memory_space<vmem>>, vector<16xi32>,
      %get3A_148 = vector.shape_cast %get3A_147 : vector<16xi32> to vector<16xi32>
      %lt3A_149 = arith.constant 0 : i32
      %lt3A_150 = vector.broadcast %lt3A_149 : i32 to vector<16xi32>
      %lt3A_151 = arith.cmpi slt, %get3A_148, %lt3A_150 : vector<16xi32>
      %not3A_152 = arith.constant dense<-1> : vector<16xi32>
      %not3A_153 = arith.xori %get3A_148, %not3A_152 : vector<16xi32>
      %get3A_154 = arith.constant 48 : index
      %get3A_155 = tpu.vector_load %arg7[%get3A_154] {strides = array<i32>} : memref<128xi32, #tpu.memory_space<vmem>>, vector<16xi32>,
      %get3A_156 = vector.shape_cast %get3A_155 : vector<16xi32> to vector<16xi32>
      %select_n3A_157 = arith.select %lt3A_151, %not3A_153, %get3A_156 : vector<16xi1>, vector<16xi32>
      %swap3A_158 = arith.constant 48 : index
      %swap3A_159 = tpu.vector_load %arg9[%swap3A_158] {strides = array<i32>} : memref<128xi32, #tpu.memory_space<vmem>>, vector<16xi32>,
      %swap3A_160 = vector.shape_cast %swap3A_159 : vector<16xi32> to vector<16xi32>
      %swap3A_161 = vector.shape_cast %select_n3A_157 : vector<16xi32> to vector<16xi32>
      tpu.vector_store %arg9[%swap3A_158], %swap3A_161 {strides = array<i32>} : memref<128xi32, #tpu.memory_space<vmem>>, vector<16xi32>,
      %get3A_162 = arith.constant 64 : index
      %get3A_163 = tpu.vector_load %arg6[%get3A_162] {strides = array<i32>} : memref<128xi32, #tpu.memory_space<vmem>>, vector<16xi32>,
      %get3A_164 = vector.shape_cast %get3A_163 : vector<16xi32> to vector<16xi32>
      %lt3A_165 = arith.constant 0 : i32
      %lt3A_166 = vector.broadcast %lt3A_165 : i32 to vector<16xi32>
      %lt3A_167 = arith.cmpi slt, %get3A_164, %lt3A_166 : vector<16xi32>
      %not3A_168 = arith.constant dense<-1> : vector<16xi32>
      %not3A_169 = arith.xori %get3A_164, %not3A_168 : vector<16xi32>
      %get3A_170 = arith.constant 64 : index
      %get3A_171 = tpu.vector_load %arg7[%get3A_170] {strides = array<i32>} : memref<128xi32, #tpu.memory_space<vmem>>, vector<16xi32>,
      %get3A_172 = vector.shape_cast %get3A_171 : vector<16xi32> to vector<16xi32>
      %select_n3A_173 = arith.select %lt3A_167, %not3A_169, %get3A_172 : vector<16xi1>, vector<16xi32>
      %swap3A_174 = arith.constant 64 : index
      %swap3A_175 = tpu.vector_load %arg9[%swap3A_174] {strides = array<i32>} : memref<128xi32, #tpu.memory_space<vmem>>, vector<16xi32>,
      %swap3A_176 = vector.shape_cast %swap3A_175 : vector<16xi32> to vector<16xi32>
      %swap3A_177 = vector.shape_cast %select_n3A_173 : vector<16xi32> to vector<16xi32>
      tpu.vector_store %arg9[%swap3A_174], %swap3A_177 {strides = array<i32>} : memref<128xi32, #tpu.memory_space<vmem>>, vector<16xi32>,
      %get3A_178 = arith.constant 80 : index
      %get3A_179 = tpu.vector_load %arg6[%get3A_178] {strides = array<i32>} : memref<128xi32, #tpu.memory_space<vmem>>, vector<16xi32>,
      %get3A_180 = vector.shape_cast %get3A_179 : vector<16xi32> to vector<16xi32>
      %lt3A_181 = arith.constant 0 : i32
      %lt3A_182 = vector.broadcast %lt3A_181 : i32 to vector<16xi32>
      %lt3A_183 = arith.cmpi slt, %get3A_180, %lt3A_182 : vector<16xi32>
      %not3A_184 = arith.constant dense<-1> : vector<16xi32>
      %not3A_185 = arith.xori %get3A_180, %not3A_184 : vector<16xi32>
      %get3A_186 = arith.constant 80 : index
      %get3A_187 = tpu.vector_load %arg7[%get3A_186] {strides = array<i32>} : memref<128xi32, #tpu.memory_space<vmem>>, vector<16xi32>,
      %get3A_188 = vector.shape_cast %get3A_187 : vector<16xi32> to vector<16xi32>
      %select_n3A_189 = arith.select %lt3A_183, %not3A_185, %get3A_188 : vector<16xi1>, vector<16xi32>
      %swap3A_190 = arith.constant 80 : index
      %swap3A_191 = tpu.vector_load %arg9[%swap3A_190] {strides = array<i32>} : memref<128xi32, #tpu.memory_space<vmem>>, vector<16xi32>,
      %swap3A_192 = vector.shape_cast %swap3A_191 : vector<16xi32> to vector<16xi32>
      %swap3A_193 = vector.shape_cast %select_n3A_189 : vector<16xi32> to vector<16xi32>
      tpu.vector_store %arg9[%swap3A_190], %swap3A_193 {strides = array<i32>} : memref<128xi32, #tpu.memory_space<vmem>>, vector<16xi32>,
      %get3A_194 = arith.constant 96 : index
      %get3A_195 = tpu.vector_load %arg6[%get3A_194] {strides = array<i32>} : memref<128xi32, #tpu.memory_space<vmem>>, vector<16xi32>,
      %get3A_196 = vector.shape_cast %get3A_195 : vector<16xi32> to vector<16xi32>
      %lt3A_197 = arith.constant 0 : i32
      %lt3A_198 = vector.broadcast %lt3A_197 : i32 to vector<16xi32>
      %lt3A_199 = arith.cmpi slt, %get3A_196, %lt3A_198 : vector<16xi32>
      %not3A_200 = arith.constant dense<-1> : vector<16xi32>
      %not3A_201 = arith.xori %get3A_196, %not3A_200 : vector<16xi32>
      %get3A_202 = arith.constant 96 : index
      %get3A_203 = tpu.vector_load %arg7[%get3A_202] {strides = array<i32>} : memref<128xi32, #tpu.memory_space<vmem>>, vector<16xi32>,
      %get3A_204 = vector.shape_cast %get3A_203 : vector<16xi32> to vector<16xi32>
      %select_n3A_205 = arith.select %lt3A_199, %not3A_201, %get3A_204 : vector<16xi1>, vector<16xi32>
      %swap3A_206 = arith.constant 96 : index
      %swap3A_207 = tpu.vector_load %arg9[%swap3A_206] {strides = array<i32>} : memref<128xi32, #tpu.memory_space<vmem>>, vector<16xi32>,
      %swap3A_208 = vector.shape_cast %swap3A_207 : vector<16xi32> to vector<16xi32>
      %swap3A_209 = vector.shape_cast %select_n3A_205 : vector<16xi32> to vector<16xi32>
      tpu.vector_store %arg9[%swap3A_206], %swap3A_209 {strides = array<i32>} : memref<128xi32, #tpu.memory_space<vmem>>, vector<16xi32>,
      %get3A_210 = arith.constant 112 : index
      %get3A_211 = tpu.vector_load %arg6[%get3A_210] {strides = array<i32>} : memref<128xi32, #tpu.memory_space<vmem>>, vector<16xi32>,
      %get3A_212 = vector.shape_cast %get3A_211 : vector<16xi32> to vector<16xi32>
      %lt3A_213 = arith.constant 0 : i32
      %lt3A_214 = vector.broadcast %lt3A_213 : i32 to vector<16xi32>
      %lt3A_215 = arith.cmpi slt, %get3A_212, %lt3A_214 : vector<16xi32>
      %not3A_216 = arith.constant dense<-1> : vector<16xi32>
      %not3A_217 = arith.xori %get3A_212, %not3A_216 : vector<16xi32>
      %get3A_218 = arith.constant 112 : index
      %get3A_219 = tpu.vector_load %arg7[%get3A_218] {strides = array<i32>} : memref<128xi32, #tpu.memory_space<vmem>>, vector<16xi32>,
      %get3A_220 = vector.shape_cast %get3A_219 : vector<16xi32> to vector<16xi32>
      %select_n3A_221 = arith.select %lt3A_215, %not3A_217, %get3A_220 : vector<16xi1>, vector<16xi32>
      %swap3A_222 = arith.constant 112 : index
      %swap3A_223 = tpu.vector_load %arg9[%swap3A_222] {strides = array<i32>} : memref<128xi32, #tpu.memory_space<vmem>>, vector<16xi32>,
      %swap3A_224 = vector.shape_cast %swap3A_223 : vector<16xi32> to vector<16xi32>
      %swap3A_225 = vector.shape_cast %select_n3A_221 : vector<16xi32> to vector<16xi32>
      tpu.vector_store %arg9[%swap3A_222], %swap3A_225 {strides = array<i32>} : memref<128xi32, #tpu.memory_space<vmem>>, vector<16xi32>,
      %dma_start3A_226 = arith.constant 0 : i32
      %dma_start3A_227 = arith.constant 0 : i32
      %dma_start3A_228 = tpu.memref_slice %arg4[%dma_start3A_226, %dma_start3A_227] : memref<100000x128xf32, #tpu.memory_space<hbm>> -> memref<100000x128xf32, #tpu.memory_space<hbm>>
      tpu.enqueue_indirect_dma source(%dma_start3A_228 : memref<100000x128xf32, #tpu.memory_space<hbm>>) target(%arg10 : memref<128x128xf32, #tpu.memory_space<vmem>>) offsets(%arg9 : memref<128xi32, #tpu.memory_space<vmem>>) semaphore(%arg11 : memref<!tpu.dma_semaphore, #tpu.memory_space<semaphore_mem>>)
      %dma_wait3A_229 = arith.constant 0 : i32
      %dma_wait3A_230 = arith.constant 0 : i32
      %dma_wait3A_231 = tpu.memref_slice %arg4[%dma_wait3A_229, %dma_wait3A_230] : memref<100000x128xf32, #tpu.memory_space<hbm>> -> memref<100000x128xf32, #tpu.memory_space<hbm>>
      tpu.wait_indirect_dma semaphore(%arg11 : memref<!tpu.dma_semaphore, #tpu.memory_space<semaphore_mem>>) src(%dma_wait3A_231 : memref<100000x128xf32, #tpu.memory_space<hbm>>) dst(%arg10 : memref<128x128xf32, #tpu.memory_space<vmem>>)
      "tpu.region"() ({
        %run_scoped3A = tpu.sem_alloc : memref<!tpu.dma_semaphore, #tpu.memory_space<semaphore_mem>>
        %dma_start3A_232 = arith.constant 0 : i32
        %dma_start3A_233 = tpu.memref_slice %arg5[%mul3A_19, %dma_start3A_232] : memref<100096x128xf32, #tpu.memory_space<hbm>> -> memref<128x128xf32, #tpu.memory_space<hbm>>
        %dma_start3A_234 = arith.constant 0 : i32
        %dma_start3A_235 = tpu.memref_slice %arg5[%mul3A_19, %dma_start3A_234] : memref<100096x128xf32, #tpu.memory_space<hbm>> -> memref<128x128xf32, #tpu.memory_space<hbm>>
        tpu.enqueue_dma source(%arg10 : memref<128x128xf32, #tpu.memory_space<vmem>>) target(%dma_start3A_235 : memref<128x128xf32, #tpu.memory_space<hbm>>) target_semaphore(%run_scoped3A : memref<!tpu.dma_semaphore, #tpu.memory_space<semaphore_mem>>)
        %dma_wait3A_236 = arith.constant 0 : i32
        %dma_wait3A_237 = tpu.memref_slice %arg5[%mul3A_19, %dma_wait3A_236] : memref<100096x128xf32, #tpu.memory_space<hbm>> -> memref<128x128xf32, #tpu.memory_space<hbm>>
        %dma_wait3A_238 = arith.constant 0 : i32
        %dma_wait3A_239 = tpu.memref_slice %arg5[%mul3A_19, %dma_wait3A_238] : memref<100096x128xf32, #tpu.memory_space<hbm>> -> memref<128x128xf32, #tpu.memory_space<hbm>>
        tpu.wait_dma2 semaphore(%run_scoped3A : memref<!tpu.dma_semaphore, #tpu.memory_space<semaphore_mem>>) src(%arg10 : memref<128x128xf32, #tpu.memory_space<vmem>>) dst(%dma_wait3A_239 : memref<128x128xf32, #tpu.memory_space<hbm>>)
        tpu.yield
      }) : () -> ()
    }
    %while3A_15 = arith.constant 1 : i32
    scf.for %while3A_16 = %while3A_13 to %while3A_9 step %while3A_15  : i32 {
      %add3A_17 = arith.addi %add3A_6, %while3A_16 : i32
      %mul3A_18 = arith.constant 128 : i32
      %mul3A_19 = arith.muli %add3A_17, %mul3A_18 : i32
      "tpu.region"() ({
        %run_scoped3A = tpu.sem_alloc : memref<!tpu.dma_semaphore, #tpu.memory_space<semaphore_mem>>
        %dma_start3A_232 = tpu.memref_slice %arg2[%mul3A_19] : memref<100096xi32, #tpu.memory_space<hbm>> -> memref<128xi32, #tpu.memory_space<hbm>>
        %dma_start3A_233 = tpu.memref_slice %arg2[%mul3A_19] : memref<100096xi32, #tpu.memory_space<hbm>> -> memref<128xi32, #tpu.memory_space<hbm>>
        tpu.enqueue_dma source(%dma_start3A_233 : memref<128xi32, #tpu.memory_space<hbm>>) target(%arg6 : memref<128xi32, #tpu.memory_space<vmem>>) target_semaphore(%run_scoped3A : memref<!tpu.dma_semaphore, #tpu.memory_space<semaphore_mem>>)
        %dma_wait3A_234 = tpu.memref_slice %arg2[%mul3A_19] : memref<100096xi32, #tpu.memory_space<hbm>> -> memref<128xi32, #tpu.memory_space<hbm>>
        %dma_wait3A_235 = tpu.memref_slice %arg2[%mul3A_19] : memref<100096xi32, #tpu.memory_space<hbm>> -> memref<128xi32, #tpu.memory_space<hbm>>
        tpu.wait_dma2 semaphore(%run_scoped3A : memref<!tpu.dma_semaphore, #tpu.memory_space<semaphore_mem>>) src(%dma_wait3A_235 : memref<128xi32, #tpu.memory_space<hbm>>) dst(%arg6 : memref<128xi32, #tpu.memory_space<vmem>>)
        tpu.yield
      }) : () -> ()
      %get3A = arith.constant 0 : index
      %get3A_20 = tpu.vector_load %arg6[%get3A] {strides = array<i32>} : memref<128xi32, #tpu.memory_space<vmem>>, vector<16xi32>,
      %get3A_21 = vector.shape_cast %get3A_20 : vector<16xi32> to vector<16xi32>
      %max3A = arith.constant 0 : i32
      %max3A_22 = vector.broadcast %max3A : i32 to vector<16xi32>
      %max3A_23 = arith.maxsi %get3A_21, %max3A_22 : vector<16xi32>
      %swap3A = arith.constant 0 : index
      %swap3A_24 = tpu.vector_load %arg8[%swap3A] {strides = array<i32>} : memref<128xi32, #tpu.memory_space<vmem>>, vector<16xi32>,
      %swap3A_25 = vector.shape_cast %swap3A_24 : vector<16xi32> to vector<16xi32>
      %swap3A_26 = vector.shape_cast %max3A_23 : vector<16xi32> to vector<16xi32>
      tpu.vector_store %arg8[%swap3A], %swap3A_26 {strides = array<i32>} : memref<128xi32, #tpu.memory_space<vmem>>, vector<16xi32>,
      %get3A_27 = arith.constant 16 : index
      %get3A_28 = tpu.vector_load %arg6[%get3A_27] {strides = array<i32>} : memref<128xi32, #tpu.memory_space<vmem>>, vector<16xi32>,
      %get3A_29 = vector.shape_cast %get3A_28 : vector<16xi32> to vector<16xi32>
      %max3A_30 = arith.constant 0 : i32
      %max3A_31 = vector.broadcast %max3A_30 : i32 to vector<16xi32>
      %max3A_32 = arith.maxsi %get3A_29, %max3A_31 : vector<16xi32>
      %swap3A_33 = arith.constant 16 : index
      %swap3A_34 = tpu.vector_load %arg8[%swap3A_33] {strides = array<i32>} : memref<128xi32, #tpu.memory_space<vmem>>, vector<16xi32>,
      %swap3A_35 = vector.shape_cast %swap3A_34 : vector<16xi32> to vector<16xi32>
      %swap3A_36 = vector.shape_cast %max3A_32 : vector<16xi32> to vector<16xi32>
      tpu.vector_store %arg8[%swap3A_33], %swap3A_36 {strides = array<i32>} : memref<128xi32, #tpu.memory_space<vmem>>, vector<16xi32>,
      %get3A_37 = arith.constant 32 : index
      %get3A_38 = tpu.vector_load %arg6[%get3A_37] {strides = array<i32>} : memref<128xi32, #tpu.memory_space<vmem>>, vector<16xi32>,
      %get3A_39 = vector.shape_cast %get3A_38 : vector<16xi32> to vector<16xi32>
      %max3A_40 = arith.constant 0 : i32
      %max3A_41 = vector.broadcast %max3A_40 : i32 to vector<16xi32>
      %max3A_42 = arith.maxsi %get3A_39, %max3A_41 : vector<16xi32>
      %swap3A_43 = arith.constant 32 : index
      %swap3A_44 = tpu.vector_load %arg8[%swap3A_43] {strides = array<i32>} : memref<128xi32, #tpu.memory_space<vmem>>, vector<16xi32>,
      %swap3A_45 = vector.shape_cast %swap3A_44 : vector<16xi32> to vector<16xi32>
      %swap3A_46 = vector.shape_cast %max3A_42 : vector<16xi32> to vector<16xi32>
      tpu.vector_store %arg8[%swap3A_43], %swap3A_46 {strides = array<i32>} : memref<128xi32, #tpu.memory_space<vmem>>, vector<16xi32>,
      %get3A_47 = arith.constant 48 : index
      %get3A_48 = tpu.vector_load %arg6[%get3A_47] {strides = array<i32>} : memref<128xi32, #tpu.memory_space<vmem>>, vector<16xi32>,
      %get3A_49 = vector.shape_cast %get3A_48 : vector<16xi32> to vector<16xi32>
      %max3A_50 = arith.constant 0 : i32
      %max3A_51 = vector.broadcast %max3A_50 : i32 to vector<16xi32>
      %max3A_52 = arith.maxsi %get3A_49, %max3A_51 : vector<16xi32>
      %swap3A_53 = arith.constant 48 : index
      %swap3A_54 = tpu.vector_load %arg8[%swap3A_53] {strides = array<i32>} : memref<128xi32, #tpu.memory_space<vmem>>, vector<16xi32>,
      %swap3A_55 = vector.shape_cast %swap3A_54 : vector<16xi32> to vector<16xi32>
      %swap3A_56 = vector.shape_cast %max3A_52 : vector<16xi32> to vector<16xi32>
      tpu.vector_store %arg8[%swap3A_53], %swap3A_56 {strides = array<i32>} : memref<128xi32, #tpu.memory_space<vmem>>, vector<16xi32>,
      %get3A_57 = arith.constant 64 : index
      %get3A_58 = tpu.vector_load %arg6[%get3A_57] {strides = array<i32>} : memref<128xi32, #tpu.memory_space<vmem>>, vector<16xi32>,
      %get3A_59 = vector.shape_cast %get3A_58 : vector<16xi32> to vector<16xi32>
      %max3A_60 = arith.constant 0 : i32
      %max3A_61 = vector.broadcast %max3A_60 : i32 to vector<16xi32>
      %max3A_62 = arith.maxsi %get3A_59, %max3A_61 : vector<16xi32>
      %swap3A_63 = arith.constant 64 : index
      %swap3A_64 = tpu.vector_load %arg8[%swap3A_63] {strides = array<i32>} : memref<128xi32, #tpu.memory_space<vmem>>, vector<16xi32>,
      %swap3A_65 = vector.shape_cast %swap3A_64 : vector<16xi32> to vector<16xi32>
      %swap3A_66 = vector.shape_cast %max3A_62 : vector<16xi32> to vector<16xi32>
      tpu.vector_store %arg8[%swap3A_63], %swap3A_66 {strides = array<i32>} : memref<128xi32, #tpu.memory_space<vmem>>, vector<16xi32>,
      %get3A_67 = arith.constant 80 : index
      %get3A_68 = tpu.vector_load %arg6[%get3A_67] {strides = array<i32>} : memref<128xi32, #tpu.memory_space<vmem>>, vector<16xi32>,
      %get3A_69 = vector.shape_cast %get3A_68 : vector<16xi32> to vector<16xi32>
      %max3A_70 = arith.constant 0 : i32
      %max3A_71 = vector.broadcast %max3A_70 : i32 to vector<16xi32>
      %max3A_72 = arith.maxsi %get3A_69, %max3A_71 : vector<16xi32>
      %swap3A_73 = arith.constant 80 : index
      %swap3A_74 = tpu.vector_load %arg8[%swap3A_73] {strides = array<i32>} : memref<128xi32, #tpu.memory_space<vmem>>, vector<16xi32>,
      %swap3A_75 = vector.shape_cast %swap3A_74 : vector<16xi32> to vector<16xi32>
      %swap3A_76 = vector.shape_cast %max3A_72 : vector<16xi32> to vector<16xi32>
      tpu.vector_store %arg8[%swap3A_73], %swap3A_76 {strides = array<i32>} : memref<128xi32, #tpu.memory_space<vmem>>, vector<16xi32>,
      %get3A_77 = arith.constant 96 : index
      %get3A_78 = tpu.vector_load %arg6[%get3A_77] {strides = array<i32>} : memref<128xi32, #tpu.memory_space<vmem>>, vector<16xi32>,
      %get3A_79 = vector.shape_cast %get3A_78 : vector<16xi32> to vector<16xi32>
      %max3A_80 = arith.constant 0 : i32
      %max3A_81 = vector.broadcast %max3A_80 : i32 to vector<16xi32>
      %max3A_82 = arith.maxsi %get3A_79, %max3A_81 : vector<16xi32>
      %swap3A_83 = arith.constant 96 : index
      %swap3A_84 = tpu.vector_load %arg8[%swap3A_83] {strides = array<i32>} : memref<128xi32, #tpu.memory_space<vmem>>, vector<16xi32>,
      %swap3A_85 = vector.shape_cast %swap3A_84 : vector<16xi32> to vector<16xi32>
      %swap3A_86 = vector.shape_cast %max3A_82 : vector<16xi32> to vector<16xi32>
      tpu.vector_store %arg8[%swap3A_83], %swap3A_86 {strides = array<i32>} : memref<128xi32, #tpu.memory_space<vmem>>, vector<16xi32>,
      %get3A_87 = arith.constant 112 : index
      %get3A_88 = tpu.vector_load %arg6[%get3A_87] {strides = array<i32>} : memref<128xi32, #tpu.memory_space<vmem>>, vector<16xi32>,
      %get3A_89 = vector.shape_cast %get3A_88 : vector<16xi32> to vector<16xi32>
      %max3A_90 = arith.constant 0 : i32
      %max3A_91 = vector.broadcast %max3A_90 : i32 to vector<16xi32>
      %max3A_92 = arith.maxsi %get3A_89, %max3A_91 : vector<16xi32>
      %swap3A_93 = arith.constant 112 : index
      %swap3A_94 = tpu.vector_load %arg8[%swap3A_93] {strides = array<i32>} : memref<128xi32, #tpu.memory_space<vmem>>, vector<16xi32>,
      %swap3A_95 = vector.shape_cast %swap3A_94 : vector<16xi32> to vector<16xi32>
      %swap3A_96 = vector.shape_cast %max3A_92 : vector<16xi32> to vector<16xi32>
      tpu.vector_store %arg8[%swap3A_93], %swap3A_96 {strides = array<i32>} : memref<128xi32, #tpu.memory_space<vmem>>, vector<16xi32>,
      %dma_start3A = arith.constant 0 : i32
      %dma_start3A_97 = tpu.memref_slice %arg3[%dma_start3A] : memref<10480xi32, #tpu.memory_space<hbm>> -> memref<10480xi32, #tpu.memory_space<hbm>>
      tpu.enqueue_indirect_dma source(%dma_start3A_97 : memref<10480xi32, #tpu.memory_space<hbm>>) target(%arg7 : memref<128xi32, #tpu.memory_space<vmem>>) offsets(%arg8 : memref<128xi32, #tpu.memory_space<vmem>>) semaphore(%arg11 : memref<!tpu.dma_semaphore, #tpu.memory_space<semaphore_mem>>)
      %dma_wait3A = arith.constant 0 : i32
      %dma_wait3A_98 = tpu.memref_slice %arg3[%dma_wait3A] : memref<10480xi32, #tpu.memory_space<hbm>> -> memref<10480xi32, #tpu.memory_space<hbm>>
      tpu.wait_indirect_dma semaphore(%arg11 : memref<!tpu.dma_semaphore, #tpu.memory_space<semaphore_mem>>) src(%dma_wait3A_98 : memref<10480xi32, #tpu.memory_space<hbm>>) dst(%arg7 : memref<128xi32, #tpu.memory_space<vmem>>)
      %get3A_99 = arith.constant 0 : index
      %get3A_100 = tpu.vector_load %arg6[%get3A_99] {strides = array<i32>} : memref<128xi32, #tpu.memory_space<vmem>>, vector<16xi32>,
      %get3A_101 = vector.shape_cast %get3A_100 : vector<16xi32> to vector<16xi32>
      %lt3A_102 = arith.constant 0 : i32
      %lt3A_103 = vector.broadcast %lt3A_102 : i32 to vector<16xi32>
      %lt3A_104 = arith.cmpi slt, %get3A_101, %lt3A_103 : vector<16xi32>
      %not3A = arith.constant dense<-1> : vector<16xi32>
      %not3A_105 = arith.xori %get3A_101, %not3A : vector<16xi32>
      %get3A_106 = arith.constant 0 : index
      %get3A_107 = tpu.vector_load %arg7[%get3A_106] {strides = array<i32>} : memref<128xi32, #tpu.memory_space<vmem>>, vector<16xi32>,
      %get3A_108 = vector.shape_cast %get3A_107 : vector<16xi32> to vector<16xi32>
      %select_n3A_109 = arith.select %lt3A_104, %not3A_105, %get3A_108 : vector<16xi1>, vector<16xi32>
      %swap3A_110 = arith.constant 0 : index
      %swap3A_111 = tpu.vector_load %arg9[%swap3A_110] {strides = array<i32>} : memref<128xi32, #tpu.memory_space<vmem>>, vector<16xi32>,
      %swap3A_112 = vector.shape_cast %swap3A_111 : vector<16xi32> to vector<16xi32>
      %swap3A_113 = vector.shape_cast %select_n3A_109 : vector<16xi32> to vector<16xi32>
      tpu.vector_store %arg9[%swap3A_110], %swap3A_113 {strides = array<i32>} : memref<128xi32, #tpu.memory_space<vmem>>, vector<16xi32>,
      %get3A_114 = arith.constant 16 : index
      %get3A_115 = tpu.vector_load %arg6[%get3A_114] {strides = array<i32>} : memref<128xi32, #tpu.memory_space<vmem>>, vector<16xi32>,
      %get3A_116 = vector.shape_cast %get3A_115 : vector<16xi32> to vector<16xi32>
      %lt3A_117 = arith.constant 0 : i32
      %lt3A_118 = vector.broadcast %lt3A_117 : i32 to vector<16xi32>
      %lt3A_119 = arith.cmpi slt, %get3A_116, %lt3A_118 : vector<16xi32>
      %not3A_120 = arith.constant dense<-1> : vector<16xi32>
      %not3A_121 = arith.xori %get3A_116, %not3A_120 : vector<16xi32>
      %get3A_122 = arith.constant 16 : index
      %get3A_123 = tpu.vector_load %arg7[%get3A_122] {strides = array<i32>} : memref<128xi32, #tpu.memory_space<vmem>>, vector<16xi32>,
      %get3A_124 = vector.shape_cast %get3A_123 : vector<16xi32> to vector<16xi32>
      %select_n3A_125 = arith.select %lt3A_119, %not3A_121, %get3A_124 : vector<16xi1>, vector<16xi32>
      %swap3A_126 = arith.constant 16 : index
      %swap3A_127 = tpu.vector_load %arg9[%swap3A_126] {strides = array<i32>} : memref<128xi32, #tpu.memory_space<vmem>>, vector<16xi32>,
      %swap3A_128 = vector.shape_cast %swap3A_127 : vector<16xi32> to vector<16xi32>
      %swap3A_129 = vector.shape_cast %select_n3A_125 : vector<16xi32> to vector<16xi32>
      tpu.vector_store %arg9[%swap3A_126], %swap3A_129 {strides = array<i32>} : memref<128xi32, #tpu.memory_space<vmem>>, vector<16xi32>,
      %get3A_130 = arith.constant 32 : index
      %get3A_131 = tpu.vector_load %arg6[%get3A_130] {strides = array<i32>} : memref<128xi32, #tpu.memory_space<vmem>>, vector<16xi32>,
      %get3A_132 = vector.shape_cast %get3A_131 : vector<16xi32> to vector<16xi32>
      %lt3A_133 = arith.constant 0 : i32
      %lt3A_134 = vector.broadcast %lt3A_133 : i32 to vector<16xi32>
      %lt3A_135 = arith.cmpi slt, %get3A_132, %lt3A_134 : vector<16xi32>
      %not3A_136 = arith.constant dense<-1> : vector<16xi32>
      %not3A_137 = arith.xori %get3A_132, %not3A_136 : vector<16xi32>
      %get3A_138 = arith.constant 32 : index
      %get3A_139 = tpu.vector_load %arg7[%get3A_138] {strides = array<i32>} : memref<128xi32, #tpu.memory_space<vmem>>, vector<16xi32>,
      %get3A_140 = vector.shape_cast %get3A_139 : vector<16xi32> to vector<16xi32>
      %select_n3A_141 = arith.select %lt3A_135, %not3A_137, %get3A_140 : vector<16xi1>, vector<16xi32>
      %swap3A_142 = arith.constant 32 : index
      %swap3A_143 = tpu.vector_load %arg9[%swap3A_142] {strides = array<i32>} : memref<128xi32, #tpu.memory_space<vmem>>, vector<16xi32>,
      %swap3A_144 = vector.shape_cast %swap3A_143 : vector<16xi32> to vector<16xi32>
      %swap3A_145 = vector.shape_cast %select_n3A_141 : vector<16xi32> to vector<16xi32>
      tpu.vector_store %arg9[%swap3A_142], %swap3A_145 {strides = array<i32>} : memref<128xi32, #tpu.memory_space<vmem>>, vector<16xi32>,
      %get3A_146 = arith.constant 48 : index
      %get3A_147 = tpu.vector_load %arg6[%get3A_146] {strides = array<i32>} : memref<128xi32, #tpu.memory_space<vmem>>, vector<16xi32>,
      %get3A_148 = vector.shape_cast %get3A_147 : vector<16xi32> to vector<16xi32>
      %lt3A_149 = arith.constant 0 : i32
      %lt3A_150 = vector.broadcast %lt3A_149 : i32 to vector<16xi32>
      %lt3A_151 = arith.cmpi slt, %get3A_148, %lt3A_150 : vector<16xi32>
      %not3A_152 = arith.constant dense<-1> : vector<16xi32>
      %not3A_153 = arith.xori %get3A_148, %not3A_152 : vector<16xi32>
      %get3A_154 = arith.constant 48 : index
      %get3A_155 = tpu.vector_load %arg7[%get3A_154] {strides = array<i32>} : memref<128xi32, #tpu.memory_space<vmem>>, vector<16xi32>,
      %get3A_156 = vector.shape_cast %get3A_155 : vector<16xi32> to vector<16xi32>
      %select_n3A_157 = arith.select %lt3A_151, %not3A_153, %get3A_156 : vector<16xi1>, vector<16xi32>
      %swap3A_158 = arith.constant 48 : index
      %swap3A_159 = tpu.vector_load %arg9[%swap3A_158] {strides = array<i32>} : memref<128xi32, #tpu.memory_space<vmem>>, vector<16xi32>,
      %swap3A_160 = vector.shape_cast %swap3A_159 : vector<16xi32> to vector<16xi32>
      %swap3A_161 = vector.shape_cast %select_n3A_157 : vector<16xi32> to vector<16xi32>
      tpu.vector_store %arg9[%swap3A_158], %swap3A_161 {strides = array<i32>} : memref<128xi32, #tpu.memory_space<vmem>>, vector<16xi32>,
      %get3A_162 = arith.constant 64 : index
      %get3A_163 = tpu.vector_load %arg6[%get3A_162] {strides = array<i32>} : memref<128xi32, #tpu.memory_space<vmem>>, vector<16xi32>,
      %get3A_164 = vector.shape_cast %get3A_163 : vector<16xi32> to vector<16xi32>
      %lt3A_165 = arith.constant 0 : i32
      %lt3A_166 = vector.broadcast %lt3A_165 : i32 to vector<16xi32>
      %lt3A_167 = arith.cmpi slt, %get3A_164, %lt3A_166 : vector<16xi32>
      %not3A_168 = arith.constant dense<-1> : vector<16xi32>
      %not3A_169 = arith.xori %get3A_164, %not3A_168 : vector<16xi32>
      %get3A_170 = arith.constant 64 : index
      %get3A_171 = tpu.vector_load %arg7[%get3A_170] {strides = array<i32>} : memref<128xi32, #tpu.memory_space<vmem>>, vector<16xi32>,
      %get3A_172 = vector.shape_cast %get3A_171 : vector<16xi32> to vector<16xi32>
      %select_n3A_173 = arith.select %lt3A_167, %not3A_169, %get3A_172 : vector<16xi1>, vector<16xi32>
      %swap3A_174 = arith.constant 64 : index
      %swap3A_175 = tpu.vector_load %arg9[%swap3A_174] {strides = array<i32>} : memref<128xi32, #tpu.memory_space<vmem>>, vector<16xi32>,
      %swap3A_176 = vector.shape_cast %swap3A_175 : vector<16xi32> to vector<16xi32>
      %swap3A_177 = vector.shape_cast %select_n3A_173 : vector<16xi32> to vector<16xi32>
      tpu.vector_store %arg9[%swap3A_174], %swap3A_177 {strides = array<i32>} : memref<128xi32, #tpu.memory_space<vmem>>, vector<16xi32>,
      %get3A_178 = arith.constant 80 : index
      %get3A_179 = tpu.vector_load %arg6[%get3A_178] {strides = array<i32>} : memref<128xi32, #tpu.memory_space<vmem>>, vector<16xi32>,
      %get3A_180 = vector.shape_cast %get3A_179 : vector<16xi32> to vector<16xi32>
      %lt3A_181 = arith.constant 0 : i32
      %lt3A_182 = vector.broadcast %lt3A_181 : i32 to vector<16xi32>
      %lt3A_183 = arith.cmpi slt, %get3A_180, %lt3A_182 : vector<16xi32>
      %not3A_184 = arith.constant dense<-1> : vector<16xi32>
      %not3A_185 = arith.xori %get3A_180, %not3A_184 : vector<16xi32>
      %get3A_186 = arith.constant 80 : index
      %get3A_187 = tpu.vector_load %arg7[%get3A_186] {strides = array<i32>} : memref<128xi32, #tpu.memory_space<vmem>>, vector<16xi32>,
      %get3A_188 = vector.shape_cast %get3A_187 : vector<16xi32> to vector<16xi32>
      %select_n3A_189 = arith.select %lt3A_183, %not3A_185, %get3A_188 : vector<16xi1>, vector<16xi32>
      %swap3A_190 = arith.constant 80 : index
      %swap3A_191 = tpu.vector_load %arg9[%swap3A_190] {strides = array<i32>} : memref<128xi32, #tpu.memory_space<vmem>>, vector<16xi32>,
      %swap3A_192 = vector.shape_cast %swap3A_191 : vector<16xi32> to vector<16xi32>
      %swap3A_193 = vector.shape_cast %select_n3A_189 : vector<16xi32> to vector<16xi32>
      tpu.vector_store %arg9[%swap3A_190], %swap3A_193 {strides = array<i32>} : memref<128xi32, #tpu.memory_space<vmem>>, vector<16xi32>,
      %get3A_194 = arith.constant 96 : index
      %get3A_195 = tpu.vector_load %arg6[%get3A_194] {strides = array<i32>} : memref<128xi32, #tpu.memory_space<vmem>>, vector<16xi32>,
      %get3A_196 = vector.shape_cast %get3A_195 : vector<16xi32> to vector<16xi32>
      %lt3A_197 = arith.constant 0 : i32
      %lt3A_198 = vector.broadcast %lt3A_197 : i32 to vector<16xi32>
      %lt3A_199 = arith.cmpi slt, %get3A_196, %lt3A_198 : vector<16xi32>
      %not3A_200 = arith.constant dense<-1> : vector<16xi32>
      %not3A_201 = arith.xori %get3A_196, %not3A_200 : vector<16xi32>
      %get3A_202 = arith.constant 96 : index
      %get3A_203 = tpu.vector_load %arg7[%get3A_202] {strides = array<i32>} : memref<128xi32, #tpu.memory_space<vmem>>, vector<16xi32>,
      %get3A_204 = vector.shape_cast %get3A_203 : vector<16xi32> to vector<16xi32>
      %select_n3A_205 = arith.select %lt3A_199, %not3A_201, %get3A_204 : vector<16xi1>, vector<16xi32>
      %swap3A_206 = arith.constant 96 : index
      %swap3A_207 = tpu.vector_load %arg9[%swap3A_206] {strides = array<i32>} : memref<128xi32, #tpu.memory_space<vmem>>, vector<16xi32>,
      %swap3A_208 = vector.shape_cast %swap3A_207 : vector<16xi32> to vector<16xi32>
      %swap3A_209 = vector.shape_cast %select_n3A_205 : vector<16xi32> to vector<16xi32>
      tpu.vector_store %arg9[%swap3A_206], %swap3A_209 {strides = array<i32>} : memref<128xi32, #tpu.memory_space<vmem>>, vector<16xi32>,
      %get3A_210 = arith.constant 112 : index
      %get3A_211 = tpu.vector_load %arg6[%get3A_210] {strides = array<i32>} : memref<128xi32, #tpu.memory_space<vmem>>, vector<16xi32>,
      %get3A_212 = vector.shape_cast %get3A_211 : vector<16xi32> to vector<16xi32>
      %lt3A_213 = arith.constant 0 : i32
      %lt3A_214 = vector.broadcast %lt3A_213 : i32 to vector<16xi32>
      %lt3A_215 = arith.cmpi slt, %get3A_212, %lt3A_214 : vector<16xi32>
      %not3A_216 = arith.constant dense<-1> : vector<16xi32>
      %not3A_217 = arith.xori %get3A_212, %not3A_216 : vector<16xi32>
      %get3A_218 = arith.constant 112 : index
      %get3A_219 = tpu.vector_load %arg7[%get3A_218] {strides = array<i32>} : memref<128xi32, #tpu.memory_space<vmem>>, vector<16xi32>,
      %get3A_220 = vector.shape_cast %get3A_219 : vector<16xi32> to vector<16xi32>
      %select_n3A_221 = arith.select %lt3A_215, %not3A_217, %get3A_220 : vector<16xi1>, vector<16xi32>
      %swap3A_222 = arith.constant 112 : index
      %swap3A_223 = tpu.vector_load %arg9[%swap3A_222] {strides = array<i32>} : memref<128xi32, #tpu.memory_space<vmem>>, vector<16xi32>,
      %swap3A_224 = vector.shape_cast %swap3A_223 : vector<16xi32> to vector<16xi32>
      %swap3A_225 = vector.shape_cast %select_n3A_221 : vector<16xi32> to vector<16xi32>
      tpu.vector_store %arg9[%swap3A_222], %swap3A_225 {strides = array<i32>} : memref<128xi32, #tpu.memory_space<vmem>>, vector<16xi32>,
      %dma_start3A_226 = arith.constant 0 : i32
      %dma_start3A_227 = arith.constant 0 : i32
      %dma_start3A_228 = tpu.memref_slice %arg4[%dma_start3A_226, %dma_start3A_227] : memref<100000x128xf32, #tpu.memory_space<hbm>> -> memref<100000x128xf32, #tpu.memory_space<hbm>>
      tpu.enqueue_indirect_dma source(%dma_start3A_228 : memref<100000x128xf32, #tpu.memory_space<hbm>>) target(%arg10 : memref<128x128xf32, #tpu.memory_space<vmem>>) offsets(%arg9 : memref<128xi32, #tpu.memory_space<vmem>>) semaphore(%arg11 : memref<!tpu.dma_semaphore, #tpu.memory_space<semaphore_mem>>)
      %dma_wait3A_229 = arith.constant 0 : i32
      %dma_wait3A_230 = arith.constant 0 : i32
      %dma_wait3A_231 = tpu.memref_slice %arg4[%dma_wait3A_229, %dma_wait3A_230] : memref<100000x128xf32, #tpu.memory_space<hbm>> -> memref<100000x128xf32, #tpu.memory_space<hbm>>
      tpu.wait_indirect_dma semaphore(%arg11 : memref<!tpu.dma_semaphore, #tpu.memory_space<semaphore_mem>>) src(%dma_wait3A_231 : memref<100000x128xf32, #tpu.memory_space<hbm>>) dst(%arg10 : memref<128x128xf32, #tpu.memory_space<vmem>>)
      "tpu.region"() ({
        %run_scoped3A = tpu.sem_alloc : memref<!tpu.dma_semaphore, #tpu.memory_space<semaphore_mem>>
        %dma_start3A_232 = arith.constant 0 : i32
        %dma_start3A_233 = tpu.memref_slice %arg5[%mul3A_19, %dma_start3A_232] : memref<100096x128xf32, #tpu.memory_space<hbm>> -> memref<128x128xf32, #tpu.memory_space<hbm>>
        %dma_start3A_234 = arith.constant 0 : i32
        %dma_start3A_235 = tpu.memref_slice %arg5[%mul3A_19, %dma_start3A_234] : memref<100096x128xf32, #tpu.memory_space<hbm>> -> memref<128x128xf32, #tpu.memory_space<hbm>>
        tpu.enqueue_dma source(%arg10 : memref<128x128xf32, #tpu.memory_space<vmem>>) target(%dma_start3A_235 : memref<128x128xf32, #tpu.memory_space<hbm>>) target_semaphore(%run_scoped3A : memref<!tpu.dma_semaphore, #tpu.memory_space<semaphore_mem>>)
        %dma_wait3A_236 = arith.constant 0 : i32
        %dma_wait3A_237 = tpu.memref_slice %arg5[%mul3A_19, %dma_wait3A_236] : memref<100096x128xf32, #tpu.memory_space<hbm>> -> memref<128x128xf32, #tpu.memory_space<hbm>>
        %dma_wait3A_238 = arith.constant 0 : i32
        %dma_wait3A_239 = tpu.memref_slice %arg5[%mul3A_19, %dma_wait3A_238] : memref<100096x128xf32, #tpu.memory_space<hbm>> -> memref<128x128xf32, #tpu.memory_space<hbm>>
        tpu.wait_dma2 semaphore(%run_scoped3A : memref<!tpu.dma_semaphore, #tpu.memory_space<semaphore_mem>>) src(%arg10 : memref<128x128xf32, #tpu.memory_space<vmem>>) dst(%dma_wait3A_239 : memref<128x128xf32, #tpu.memory_space<hbm>>)
        tpu.yield
      }) : () -> ()
    }
    return
  }
}

module attributes {stable_mosaic.version = 14 : i64} {
  func.func @_tc_body(%arg0: i32, %arg1: memref<1x212xf32, #tpu.memory_space<vmem>>, %arg2: memref<212x32xf32, #tpu.memory_space<vmem>>, %arg3: memref<150x3xf32, #tpu.memory_space<vmem>>, %arg4: memref<32x64xf32, #tpu.memory_space<vmem>>, %arg5: memref<1x64xf32, #tpu.memory_space<vmem>>, %arg6: memref<64x3xf32, #tpu.memory_space<vmem>>, %arg7: memref<64x1xf32, #tpu.memory_space<vmem>>, %arg8: memref<3x10496xf32, #tpu.memory_space<vmem>>, %arg9: memref<800x32xf32, #tpu.memory_space<vmem>>, %arg10: memref<800x1xf32, #tpu.memory_space<vmem>>, %arg11: memref<800x3xf32, #tpu.memory_space<vmem>>, %arg12: memref<800x3xf32, #tpu.memory_space<vmem>>, %arg13: memref<800x150xf32, #tpu.memory_space<vmem>>, %arg14: memref<800x1xi32, #tpu.memory_space<vmem>>, %arg15: memref<800x1xi32, #tpu.memory_space<vmem>>, %arg16: memref<800x1xi32, #tpu.memory_space<vmem>>, %arg17: memref<800x3xf32, #tpu.memory_space<vmem>>, %arg18: memref<800x3xf32, #tpu.memory_space<vmem>>, %arg19: memref<800x3xf32, #tpu.memory_space<vmem>>, %arg20: memref<800x3xf32, #tpu.memory_space<vmem>>, %arg21: memref<800x3xf32, #tpu.memory_space<vmem>>, %arg22: memref<800x1xi32, #tpu.memory_space<vmem>>) attributes {dimension_semantics = [#tpu.dimension_semantics<arbitrary>], iteration_bounds = array<i64: 125>, scalar_prefetch = 0 : i64, scratch_operands = 0 : i64, tpu.core_type = #tpu.core_type<tc>, window_params = [{pipeline_mode = #tpu.pipeline_mode<synchronous>, transform_indices = @transform_0, window_bounds = array<i64: 1, 212>}, {pipeline_mode = #tpu.pipeline_mode<synchronous>, transform_indices = @transform_1, window_bounds = array<i64: 212, 32>}, {pipeline_mode = #tpu.pipeline_mode<synchronous>, transform_indices = @transform_2, window_bounds = array<i64: 150, 3>}, {pipeline_mode = #tpu.pipeline_mode<synchronous>, transform_indices = @transform_3, window_bounds = array<i64: 32, 64>}, {pipeline_mode = #tpu.pipeline_mode<synchronous>, transform_indices = @transform_4, window_bounds = array<i64: 1, 64>}, {pipeline_mode = #tpu.pipeline_mode<synchronous>, transform_indices = @transform_5, window_bounds = array<i64: 64, 3>}, {pipeline_mode = #tpu.pipeline_mode<synchronous>, transform_indices = @transform_6, window_bounds = array<i64: 64, 1>}, {pipeline_mode = #tpu.pipeline_mode<synchronous>, transform_indices = @transform_7, window_bounds = array<i64: 3, 10496>}, {transform_indices = @transform_8, window_bounds = array<i64: 800, 32>}, {transform_indices = @transform_9, window_bounds = array<i64: 800, 1>}, {transform_indices = @transform_10, window_bounds = array<i64: 800, 3>}, {transform_indices = @transform_11, window_bounds = array<i64: 800, 3>}, {transform_indices = @transform_12, window_bounds = array<i64: 800, 150>}, {transform_indices = @transform_13, window_bounds = array<i64: 800, 1>}, {transform_indices = @transform_14, window_bounds = array<i64: 800, 1>}, {transform_indices = @transform_15, window_bounds = array<i64: 800, 1>}, {transform_indices = @transform_16, window_bounds = array<i64: 800, 3>}, {transform_indices = @transform_17, window_bounds = array<i64: 800, 3>}, {transform_indices = @transform_18, window_bounds = array<i64: 800, 3>}, {transform_indices = @transform_19, window_bounds = array<i64: 800, 3>}, {transform_indices = @transform_20, window_bounds = array<i64: 800, 3>}, {transform_indices = @transform_21, window_bounds = array<i64: 800, 1>}]} {
    %get3A = arith.constant 0 : index
    %get3A_0 = arith.constant 0 : index
    %get3A_1 = vector.load %arg1[%get3A, %get3A_0] : memref<1x212xf32, #tpu.memory_space<vmem>>, vector<1x212xf32>
    %get3A_2 = arith.constant 0 : index
    %get3A_3 = arith.constant 0 : index
    %get3A_4 = vector.load %arg2[%get3A_2, %get3A_3] : memref<212x32xf32, #tpu.memory_space<vmem>>, vector<212x32xf32>
    %dot_general3A = arith.constant dense<0.000000e+00> : vector<1x32xf32>
    %dot_general3A_5 = tpu.matmul %get3A_1, %get3A_4, %dot_general3A {dimension_numbers = #tpu.dot_dimension_numbers<[1], [0], [0], [1], [0, 0, 1, 1], [], []>, precision = #tpu.contract_precision<fp32>, transpose_lhs_hint = false} : vector<1x212xf32>, vector<212x32xf32>, vector<1x32xf32> -> vector<1x32xf32>
    %tanh3A = math.tanh %dot_general3A_5 : vector<1x32xf32>
    %get3A_6 = arith.constant 0 : index
    %get3A_7 = arith.constant 0 : index
    %get3A_8 = vector.load %arg9[%get3A_6, %get3A_7] : memref<800x32xf32, #tpu.memory_space<vmem>>, vector<800x32xf32>
    %add3A = vector.broadcast %tanh3A : vector<1x32xf32> to vector<800x32xf32>
    %add3A_9 = arith.addf %get3A_8, %add3A : vector<800x32xf32>
    %get3A_10 = arith.constant 0 : index
    %get3A_11 = arith.constant 0 : index
    %get3A_12 = vector.load %arg4[%get3A_10, %get3A_11] : memref<32x64xf32, #tpu.memory_space<vmem>>, vector<32x64xf32>
    %dot_general3A_13 = arith.constant dense<0.000000e+00> : vector<800x64xf32>
    %dot_general3A_14 = tpu.matmul %add3A_9, %get3A_12, %dot_general3A_13 {dimension_numbers = #tpu.dot_dimension_numbers<[1], [0], [0], [1], [0, 0, 1, 1], [], []>, transpose_lhs_hint = false} : vector<800x32xf32>, vector<32x64xf32>, vector<800x64xf32> -> vector<800x64xf32>
    %get3A_15 = arith.constant 0 : index
    %get3A_16 = arith.constant 0 : index
    %get3A_17 = vector.load %arg5[%get3A_15, %get3A_16] : memref<1x64xf32, #tpu.memory_space<vmem>>, vector<1x64xf32>
    %add3A_18 = vector.broadcast %get3A_17 : vector<1x64xf32> to vector<800x64xf32>
    %add3A_19 = arith.addf %dot_general3A_14, %add3A_18 : vector<800x64xf32>
    %max3A = arith.constant 0.000000e+00 : f32
    %max3A_20 = vector.broadcast %max3A : f32 to vector<800x64xf32>
    %max3A_21 = arith.maximumf %add3A_19, %max3A_20 : vector<800x64xf32>
    %get3A_22 = arith.constant 0 : index
    %get3A_23 = arith.constant 0 : index
    %get3A_24 = vector.load %arg6[%get3A_22, %get3A_23] : memref<64x3xf32, #tpu.memory_space<vmem>>, vector<64x3xf32>
    %dot_general3A_25 = arith.constant dense<0.000000e+00> : vector<800x3xf32>
    %dot_general3A_26 = tpu.matmul %max3A_21, %get3A_24, %dot_general3A_25 {dimension_numbers = #tpu.dot_dimension_numbers<[1], [0], [0], [1], [0, 0, 1, 1], [], []>, transpose_lhs_hint = false} : vector<800x64xf32>, vector<64x3xf32>, vector<800x3xf32> -> vector<800x3xf32>
    %get3A_27 = arith.constant 0 : index
    %get3A_28 = arith.constant 0 : index
    %get3A_29 = vector.load %arg7[%get3A_27, %get3A_28] : memref<64x1xf32, #tpu.memory_space<vmem>>, vector<64x1xf32>
    %dot_general3A_30 = arith.constant dense<0.000000e+00> : vector<800x1xf32>
    %dot_general3A_31 = tpu.matmul %max3A_21, %get3A_29, %dot_general3A_30 {dimension_numbers = #tpu.dot_dimension_numbers<[1], [0], [0], [1], [0, 0, 1, 1], [], []>, transpose_lhs_hint = false} : vector<800x64xf32>, vector<64x1xf32>, vector<800x1xf32> -> vector<800x1xf32>
    %get3A_32 = arith.constant 0 : index
    %get3A_33 = arith.constant 0 : index
    %get3A_34 = vector.load %arg10[%get3A_32, %get3A_33] : memref<800x1xf32, #tpu.memory_space<vmem>>, vector<800x1xf32>
    %exp3A = math.exp %get3A_34 : vector<800x1xf32>
    %broadcast_in_dim3A = vector.shape_cast %exp3A : vector<800x1xf32> to vector<800x1xf32>
    %broadcast_in_dim3A_35 = vector.broadcast %broadcast_in_dim3A : vector<800x1xf32> to vector<800x3xf32>
    %swap3A = arith.constant 0 : index
    %swap3A_36 = arith.constant 0 : index
    %swap3A_37 = vector.load %arg18[%swap3A, %swap3A_36] : memref<800x3xf32, #tpu.memory_space<vmem>>, vector<800x3xf32>
    tpu.vector_store %arg18[%swap3A, %swap3A_36], %broadcast_in_dim3A_35 {strides = array<i32>} : memref<800x3xf32, #tpu.memory_space<vmem>>, vector<800x3xf32>,
    %add3A_38 = arith.addf %get3A_34, %dot_general3A_31 : vector<800x1xf32>
    %exp3A_39 = math.exp %add3A_38 : vector<800x1xf32>
    %broadcast_in_dim3A_40 = vector.shape_cast %exp3A_39 : vector<800x1xf32> to vector<800x1xf32>
    %broadcast_in_dim3A_41 = vector.broadcast %broadcast_in_dim3A_40 : vector<800x1xf32> to vector<800x3xf32>
    %swap3A_42 = arith.constant 0 : index
    %swap3A_43 = arith.constant 0 : index
    %swap3A_44 = vector.load %arg21[%swap3A_42, %swap3A_43] : memref<800x3xf32, #tpu.memory_space<vmem>>, vector<800x3xf32>
    tpu.vector_store %arg21[%swap3A_42, %swap3A_43], %broadcast_in_dim3A_41 {strides = array<i32>} : memref<800x3xf32, #tpu.memory_space<vmem>>, vector<800x3xf32>,
    %get3A_45 = arith.constant 0 : index
    %get3A_46 = arith.constant 0 : index
    %get3A_47 = vector.load %arg11[%get3A_45, %get3A_46] : memref<800x3xf32, #tpu.memory_space<vmem>>, vector<800x3xf32>
    %tanh3A_48 = math.tanh %get3A_47 : vector<800x3xf32>
    %add3A_49 = arith.constant 1.000000e+00 : f32
    %add3A_50 = vector.broadcast %add3A_49 : f32 to vector<800x3xf32>
    %add3A_51 = arith.addf %tanh3A_48, %add3A_50 : vector<800x3xf32>
    %div3A = arith.constant 2.000000e+00 : f32
    %div3A_52 = vector.broadcast %div3A : f32 to vector<800x3xf32>
    %div3A_53 = arith.divf %add3A_51, %div3A_52 : vector<800x3xf32>
    %swap3A_54 = arith.constant 0 : index
    %swap3A_55 = arith.constant 0 : index
    %swap3A_56 = vector.load %arg19[%swap3A_54, %swap3A_55] : memref<800x3xf32, #tpu.memory_space<vmem>>, vector<800x3xf32>
    tpu.vector_store %arg19[%swap3A_54, %swap3A_55], %div3A_53 {strides = array<i32>} : memref<800x3xf32, #tpu.memory_space<vmem>>, vector<800x3xf32>,
    %get3A_57 = arith.constant 0 : index
    %get3A_58 = arith.constant 0 : index
    %get3A_59 = vector.load %arg13[%get3A_57, %get3A_58] : memref<800x150xf32, #tpu.memory_space<vmem>>, vector<800x150xf32>
    %get3A_60 = arith.constant 0 : index
    %get3A_61 = arith.constant 0 : index
    %get3A_62 = vector.load %arg3[%get3A_60, %get3A_61] : memref<150x3xf32, #tpu.memory_space<vmem>>, vector<150x3xf32>
    %dot_general3A_63 = arith.constant dense<0.000000e+00> : vector<800x3xf32>
    %dot_general3A_64 = tpu.matmul %get3A_59, %get3A_62, %dot_general3A_63 {dimension_numbers = #tpu.dot_dimension_numbers<[1], [0], [0], [1], [0, 0, 1, 1], [], []>, precision = #tpu.contract_precision<fp32>, transpose_lhs_hint = false} : vector<800x150xf32>, vector<150x3xf32>, vector<800x3xf32> -> vector<800x3xf32>
    %get3A_65 = arith.constant 0 : index
    %get3A_66 = arith.constant 0 : index
    %get3A_67 = vector.load %arg12[%get3A_65, %get3A_66] : memref<800x3xf32, #tpu.memory_space<vmem>>, vector<800x3xf32>
    %add3A_68 = arith.addf %get3A_67, %dot_general3A_64 : vector<800x3xf32>
    %swap3A_69 = arith.constant 0 : index
    %swap3A_70 = arith.constant 0 : index
    %swap3A_71 = vector.load %arg17[%swap3A_69, %swap3A_70] : memref<800x3xf32, #tpu.memory_space<vmem>>, vector<800x3xf32>
    tpu.vector_store %arg17[%swap3A_69, %swap3A_70], %add3A_68 {strides = array<i32>} : memref<800x3xf32, #tpu.memory_space<vmem>>, vector<800x3xf32>,
    %add3A_72 = arith.addf %get3A_67, %dot_general3A_26 : vector<800x3xf32>
    %add3A_73 = arith.addf %add3A_72, %dot_general3A_64 : vector<800x3xf32>
    %swap3A_74 = arith.constant 0 : index
    %swap3A_75 = arith.constant 0 : index
    %swap3A_76 = vector.load %arg20[%swap3A_74, %swap3A_75] : memref<800x3xf32, #tpu.memory_space<vmem>>, vector<800x3xf32>
    tpu.vector_store %arg20[%swap3A_74, %swap3A_75], %add3A_73 {strides = array<i32>} : memref<800x3xf32, #tpu.memory_space<vmem>>, vector<800x3xf32>,
    %get3A_77 = arith.constant 0 : index
    %get3A_78 = arith.constant 0 : index
    %get3A_79 = vector.load %arg14[%get3A_77, %get3A_78] : memref<800x1xi32, #tpu.memory_space<vmem>>, vector<800x1xi32>
    %get3A_80 = arith.constant 0 : index
    %get3A_81 = arith.constant 0 : index
    %get3A_82 = vector.load %arg15[%get3A_80, %get3A_81] : memref<800x1xi32, #tpu.memory_space<vmem>>, vector<800x1xi32>
    %add3A_83 = arith.addi %get3A_79, %get3A_82 : vector<800x1xi32>
    %get3A_84 = arith.constant 0 : index
    %get3A_85 = arith.constant 0 : index
    %get3A_86 = vector.load %arg16[%get3A_84, %get3A_85] : memref<800x1xi32, #tpu.memory_space<vmem>>, vector<800x1xi32>
    %add3A_87 = arith.addi %add3A_83, %get3A_86 : vector<800x1xi32>
    %gt3A = arith.constant 0 : i32
    %gt3A_88 = vector.broadcast %gt3A : i32 to vector<800x1xi32>
    %gt3A_89 = arith.cmpi sgt, %add3A_87, %gt3A_88 : vector<800x1xi32>
    %slice3A = vector.extract_strided_slice %add3A_68 {offsets = [0, 0], sizes = [800, 1], strides = [1, 1]} : vector<800x3xf32> to vector<800x1xf32>
    %slice3A_90 = vector.extract_strided_slice %add3A_68 {offsets = [0, 1], sizes = [800, 1], strides = [1, 1]} : vector<800x3xf32> to vector<800x1xf32>
    %slice3A_91 = vector.extract_strided_slice %add3A_68 {offsets = [0, 2], sizes = [800, 1], strides = [1, 1]} : vector<800x3xf32> to vector<800x1xf32>
    %get3A_92 = arith.constant 0 : index
    %get3A_93 = arith.constant 0 : index
    %get3A_94 = vector.load %arg8[%get3A_92, %get3A_93] : memref<3x10496xf32, #tpu.memory_space<vmem>>, vector<3x1536xf32>
    %slice3A_95 = vector.extract_strided_slice %get3A_94 {offsets = [0, 0], sizes = [1, 1536], strides = [1, 1]} : vector<3x1536xf32> to vector<1x1536xf32>
    %sub3A = vector.broadcast %slice3A : vector<800x1xf32> to vector<800x1536xf32>
    %sub3A_96 = vector.broadcast %slice3A_95 : vector<1x1536xf32> to vector<800x1536xf32>
    %sub3A_97 = arith.subf %sub3A, %sub3A_96 : vector<800x1536xf32>
    %slice3A_98 = vector.extract_strided_slice %get3A_94 {offsets = [1, 0], sizes = [1, 1536], strides = [1, 1]} : vector<3x1536xf32> to vector<1x1536xf32>
    %sub3A_99 = vector.broadcast %slice3A_90 : vector<800x1xf32> to vector<800x1536xf32>
    %sub3A_100 = vector.broadcast %slice3A_98 : vector<1x1536xf32> to vector<800x1536xf32>
    %sub3A_101 = arith.subf %sub3A_99, %sub3A_100 : vector<800x1536xf32>
    %slice3A_102 = vector.extract_strided_slice %get3A_94 {offsets = [2, 0], sizes = [1, 1536], strides = [1, 1]} : vector<3x1536xf32> to vector<1x1536xf32>
    %sub3A_103 = vector.broadcast %slice3A_91 : vector<800x1xf32> to vector<800x1536xf32>
    %sub3A_104 = vector.broadcast %slice3A_102 : vector<1x1536xf32> to vector<800x1536xf32>
    %sub3A_105 = arith.subf %sub3A_103, %sub3A_104 : vector<800x1536xf32>
    %mul3A = arith.mulf %sub3A_97, %sub3A_97 : vector<800x1536xf32>
    %mul3A_106 = arith.mulf %sub3A_101, %sub3A_101 : vector<800x1536xf32>
    %add3A_107 = arith.addf %mul3A, %mul3A_106 : vector<800x1536xf32>
    %mul3A_108 = arith.mulf %sub3A_105, %sub3A_105 : vector<800x1536xf32>
    %add3A_109 = arith.addf %add3A_107, %mul3A_108 : vector<800x1536xf32>
    %bitcast_convert_type3A = tpu.bitcast %add3A_109 : vector<800x1536xf32> -> vector<800x1536xi32>
    %and3A = arith.constant -8 : i32
    %and3A_110 = vector.broadcast %and3A : i32 to vector<800x1536xi32>
    %and3A_111 = arith.andi %bitcast_convert_type3A, %and3A_110 : vector<800x1536xi32>
    %or3A = arith.constant 0 : i32
    %or3A_112 = vector.broadcast %or3A : i32 to vector<800x1536xi32>
    %or3A_113 = arith.ori %and3A_111, %or3A_112 : vector<800x1536xi32>
    %bitcast_convert_type3A_114 = tpu.bitcast %or3A_113 : vector<800x1536xi32> -> vector<800x1536xf32>
    %get3A_115 = arith.constant 0 : index
    %get3A_116 = arith.constant 1536 : index
    %get3A_117 = vector.load %arg8[%get3A_115, %get3A_116] : memref<3x10496xf32, #tpu.memory_space<vmem>>, vector<3x1536xf32>
    %slice3A_118 = vector.extract_strided_slice %get3A_117 {offsets = [0, 0], sizes = [1, 1536], strides = [1, 1]} : vector<3x1536xf32> to vector<1x1536xf32>
    %sub3A_119 = vector.broadcast %slice3A : vector<800x1xf32> to vector<800x1536xf32>
    %sub3A_120 = vector.broadcast %slice3A_118 : vector<1x1536xf32> to vector<800x1536xf32>
    %sub3A_121 = arith.subf %sub3A_119, %sub3A_120 : vector<800x1536xf32>
    %slice3A_122 = vector.extract_strided_slice %get3A_117 {offsets = [1, 0], sizes = [1, 1536], strides = [1, 1]} : vector<3x1536xf32> to vector<1x1536xf32>
    %sub3A_123 = vector.broadcast %slice3A_90 : vector<800x1xf32> to vector<800x1536xf32>
    %sub3A_124 = vector.broadcast %slice3A_122 : vector<1x1536xf32> to vector<800x1536xf32>
    %sub3A_125 = arith.subf %sub3A_123, %sub3A_124 : vector<800x1536xf32>
    %slice3A_126 = vector.extract_strided_slice %get3A_117 {offsets = [2, 0], sizes = [1, 1536], strides = [1, 1]} : vector<3x1536xf32> to vector<1x1536xf32>
    %sub3A_127 = vector.broadcast %slice3A_91 : vector<800x1xf32> to vector<800x1536xf32>
    %sub3A_128 = vector.broadcast %slice3A_126 : vector<1x1536xf32> to vector<800x1536xf32>
    %sub3A_129 = arith.subf %sub3A_127, %sub3A_128 : vector<800x1536xf32>
    %mul3A_130 = arith.mulf %sub3A_121, %sub3A_121 : vector<800x1536xf32>
    %mul3A_131 = arith.mulf %sub3A_125, %sub3A_125 : vector<800x1536xf32>
    %add3A_132 = arith.addf %mul3A_130, %mul3A_131 : vector<800x1536xf32>
    %mul3A_133 = arith.mulf %sub3A_129, %sub3A_129 : vector<800x1536xf32>
    %add3A_134 = arith.addf %add3A_132, %mul3A_133 : vector<800x1536xf32>
    %bitcast_convert_type3A_135 = tpu.bitcast %add3A_134 : vector<800x1536xf32> -> vector<800x1536xi32>
    %and3A_136 = arith.constant -8 : i32
    %and3A_137 = vector.broadcast %and3A_136 : i32 to vector<800x1536xi32>
    %and3A_138 = arith.andi %bitcast_convert_type3A_135, %and3A_137 : vector<800x1536xi32>
    %or3A_139 = arith.constant 1 : i32
    %or3A_140 = vector.broadcast %or3A_139 : i32 to vector<800x1536xi32>
    %or3A_141 = arith.ori %and3A_138, %or3A_140 : vector<800x1536xi32>
    %bitcast_convert_type3A_142 = tpu.bitcast %or3A_141 : vector<800x1536xi32> -> vector<800x1536xf32>
    %min3A = arith.minimumf %bitcast_convert_type3A_114, %bitcast_convert_type3A_142 : vector<800x1536xf32>
    %get3A_143 = arith.constant 0 : index
    %get3A_144 = arith.constant 3072 : index
    %get3A_145 = vector.load %arg8[%get3A_143, %get3A_144] : memref<3x10496xf32, #tpu.memory_space<vmem>>, vector<3x1536xf32>
    %slice3A_146 = vector.extract_strided_slice %get3A_145 {offsets = [0, 0], sizes = [1, 1536], strides = [1, 1]} : vector<3x1536xf32> to vector<1x1536xf32>
    %sub3A_147 = vector.broadcast %slice3A : vector<800x1xf32> to vector<800x1536xf32>
    %sub3A_148 = vector.broadcast %slice3A_146 : vector<1x1536xf32> to vector<800x1536xf32>
    %sub3A_149 = arith.subf %sub3A_147, %sub3A_148 : vector<800x1536xf32>
    %slice3A_150 = vector.extract_strided_slice %get3A_145 {offsets = [1, 0], sizes = [1, 1536], strides = [1, 1]} : vector<3x1536xf32> to vector<1x1536xf32>
    %sub3A_151 = vector.broadcast %slice3A_90 : vector<800x1xf32> to vector<800x1536xf32>
    %sub3A_152 = vector.broadcast %slice3A_150 : vector<1x1536xf32> to vector<800x1536xf32>
    %sub3A_153 = arith.subf %sub3A_151, %sub3A_152 : vector<800x1536xf32>
    %slice3A_154 = vector.extract_strided_slice %get3A_145 {offsets = [2, 0], sizes = [1, 1536], strides = [1, 1]} : vector<3x1536xf32> to vector<1x1536xf32>
    %sub3A_155 = vector.broadcast %slice3A_91 : vector<800x1xf32> to vector<800x1536xf32>
    %sub3A_156 = vector.broadcast %slice3A_154 : vector<1x1536xf32> to vector<800x1536xf32>
    %sub3A_157 = arith.subf %sub3A_155, %sub3A_156 : vector<800x1536xf32>
    %mul3A_158 = arith.mulf %sub3A_149, %sub3A_149 : vector<800x1536xf32>
    %mul3A_159 = arith.mulf %sub3A_153, %sub3A_153 : vector<800x1536xf32>
    %add3A_160 = arith.addf %mul3A_158, %mul3A_159 : vector<800x1536xf32>
    %mul3A_161 = arith.mulf %sub3A_157, %sub3A_157 : vector<800x1536xf32>
    %add3A_162 = arith.addf %add3A_160, %mul3A_161 : vector<800x1536xf32>
    %bitcast_convert_type3A_163 = tpu.bitcast %add3A_162 : vector<800x1536xf32> -> vector<800x1536xi32>
    %and3A_164 = arith.constant -8 : i32
    %and3A_165 = vector.broadcast %and3A_164 : i32 to vector<800x1536xi32>
    %and3A_166 = arith.andi %bitcast_convert_type3A_163, %and3A_165 : vector<800x1536xi32>
    %or3A_167 = arith.constant 2 : i32
    %or3A_168 = vector.broadcast %or3A_167 : i32 to vector<800x1536xi32>
    %or3A_169 = arith.ori %and3A_166, %or3A_168 : vector<800x1536xi32>
    %bitcast_convert_type3A_170 = tpu.bitcast %or3A_169 : vector<800x1536xi32> -> vector<800x1536xf32>
    %min3A_171 = arith.minimumf %min3A, %bitcast_convert_type3A_170 : vector<800x1536xf32>
    %get3A_172 = arith.constant 0 : index
    %get3A_173 = arith.constant 4608 : index
    %get3A_174 = vector.load %arg8[%get3A_172, %get3A_173] : memref<3x10496xf32, #tpu.memory_space<vmem>>, vector<3x1536xf32>
    %slice3A_175 = vector.extract_strided_slice %get3A_174 {offsets = [0, 0], sizes = [1, 1536], strides = [1, 1]} : vector<3x1536xf32> to vector<1x1536xf32>
    %sub3A_176 = vector.broadcast %slice3A : vector<800x1xf32> to vector<800x1536xf32>
    %sub3A_177 = vector.broadcast %slice3A_175 : vector<1x1536xf32> to vector<800x1536xf32>
    %sub3A_178 = arith.subf %sub3A_176, %sub3A_177 : vector<800x1536xf32>
    %slice3A_179 = vector.extract_strided_slice %get3A_174 {offsets = [1, 0], sizes = [1, 1536], strides = [1, 1]} : vector<3x1536xf32> to vector<1x1536xf32>
    %sub3A_180 = vector.broadcast %slice3A_90 : vector<800x1xf32> to vector<800x1536xf32>
    %sub3A_181 = vector.broadcast %slice3A_179 : vector<1x1536xf32> to vector<800x1536xf32>
    %sub3A_182 = arith.subf %sub3A_180, %sub3A_181 : vector<800x1536xf32>
    %slice3A_183 = vector.extract_strided_slice %get3A_174 {offsets = [2, 0], sizes = [1, 1536], strides = [1, 1]} : vector<3x1536xf32> to vector<1x1536xf32>
    %sub3A_184 = vector.broadcast %slice3A_91 : vector<800x1xf32> to vector<800x1536xf32>
    %sub3A_185 = vector.broadcast %slice3A_183 : vector<1x1536xf32> to vector<800x1536xf32>
    %sub3A_186 = arith.subf %sub3A_184, %sub3A_185 : vector<800x1536xf32>
    %mul3A_187 = arith.mulf %sub3A_178, %sub3A_178 : vector<800x1536xf32>
    %mul3A_188 = arith.mulf %sub3A_182, %sub3A_182 : vector<800x1536xf32>
    %add3A_189 = arith.addf %mul3A_187, %mul3A_188 : vector<800x1536xf32>
    %mul3A_190 = arith.mulf %sub3A_186, %sub3A_186 : vector<800x1536xf32>
    %add3A_191 = arith.addf %add3A_189, %mul3A_190 : vector<800x1536xf32>
    %bitcast_convert_type3A_192 = tpu.bitcast %add3A_191 : vector<800x1536xf32> -> vector<800x1536xi32>
    %and3A_193 = arith.constant -8 : i32
    %and3A_194 = vector.broadcast %and3A_193 : i32 to vector<800x1536xi32>
    %and3A_195 = arith.andi %bitcast_convert_type3A_192, %and3A_194 : vector<800x1536xi32>
    %or3A_196 = arith.constant 3 : i32
    %or3A_197 = vector.broadcast %or3A_196 : i32 to vector<800x1536xi32>
    %or3A_198 = arith.ori %and3A_195, %or3A_197 : vector<800x1536xi32>
    %bitcast_convert_type3A_199 = tpu.bitcast %or3A_198 : vector<800x1536xi32> -> vector<800x1536xf32>
    %min3A_200 = arith.minimumf %min3A_171, %bitcast_convert_type3A_199 : vector<800x1536xf32>
    %get3A_201 = arith.constant 0 : index
    %get3A_202 = arith.constant 6144 : index
    %get3A_203 = vector.load %arg8[%get3A_201, %get3A_202] : memref<3x10496xf32, #tpu.memory_space<vmem>>, vector<3x1536xf32>
    %slice3A_204 = vector.extract_strided_slice %get3A_203 {offsets = [0, 0], sizes = [1, 1536], strides = [1, 1]} : vector<3x1536xf32> to vector<1x1536xf32>
    %sub3A_205 = vector.broadcast %slice3A : vector<800x1xf32> to vector<800x1536xf32>
    %sub3A_206 = vector.broadcast %slice3A_204 : vector<1x1536xf32> to vector<800x1536xf32>
    %sub3A_207 = arith.subf %sub3A_205, %sub3A_206 : vector<800x1536xf32>
    %slice3A_208 = vector.extract_strided_slice %get3A_203 {offsets = [1, 0], sizes = [1, 1536], strides = [1, 1]} : vector<3x1536xf32> to vector<1x1536xf32>
    %sub3A_209 = vector.broadcast %slice3A_90 : vector<800x1xf32> to vector<800x1536xf32>
    %sub3A_210 = vector.broadcast %slice3A_208 : vector<1x1536xf32> to vector<800x1536xf32>
    %sub3A_211 = arith.subf %sub3A_209, %sub3A_210 : vector<800x1536xf32>
    %slice3A_212 = vector.extract_strided_slice %get3A_203 {offsets = [2, 0], sizes = [1, 1536], strides = [1, 1]} : vector<3x1536xf32> to vector<1x1536xf32>
    %sub3A_213 = vector.broadcast %slice3A_91 : vector<800x1xf32> to vector<800x1536xf32>
    %sub3A_214 = vector.broadcast %slice3A_212 : vector<1x1536xf32> to vector<800x1536xf32>
    %sub3A_215 = arith.subf %sub3A_213, %sub3A_214 : vector<800x1536xf32>
    %mul3A_216 = arith.mulf %sub3A_207, %sub3A_207 : vector<800x1536xf32>
    %mul3A_217 = arith.mulf %sub3A_211, %sub3A_211 : vector<800x1536xf32>
    %add3A_218 = arith.addf %mul3A_216, %mul3A_217 : vector<800x1536xf32>
    %mul3A_219 = arith.mulf %sub3A_215, %sub3A_215 : vector<800x1536xf32>
    %add3A_220 = arith.addf %add3A_218, %mul3A_219 : vector<800x1536xf32>
    %bitcast_convert_type3A_221 = tpu.bitcast %add3A_220 : vector<800x1536xf32> -> vector<800x1536xi32>
    %and3A_222 = arith.constant -8 : i32
    %and3A_223 = vector.broadcast %and3A_222 : i32 to vector<800x1536xi32>
    %and3A_224 = arith.andi %bitcast_convert_type3A_221, %and3A_223 : vector<800x1536xi32>
    %or3A_225 = arith.constant 4 : i32
    %or3A_226 = vector.broadcast %or3A_225 : i32 to vector<800x1536xi32>
    %or3A_227 = arith.ori %and3A_224, %or3A_226 : vector<800x1536xi32>
    %bitcast_convert_type3A_228 = tpu.bitcast %or3A_227 : vector<800x1536xi32> -> vector<800x1536xf32>
    %min3A_229 = arith.minimumf %min3A_200, %bitcast_convert_type3A_228 : vector<800x1536xf32>
    %get3A_230 = arith.constant 0 : index
    %get3A_231 = arith.constant 7680 : index
    %get3A_232 = vector.load %arg8[%get3A_230, %get3A_231] : memref<3x10496xf32, #tpu.memory_space<vmem>>, vector<3x1536xf32>
    %slice3A_233 = vector.extract_strided_slice %get3A_232 {offsets = [0, 0], sizes = [1, 1536], strides = [1, 1]} : vector<3x1536xf32> to vector<1x1536xf32>
    %sub3A_234 = vector.broadcast %slice3A : vector<800x1xf32> to vector<800x1536xf32>
    %sub3A_235 = vector.broadcast %slice3A_233 : vector<1x1536xf32> to vector<800x1536xf32>
    %sub3A_236 = arith.subf %sub3A_234, %sub3A_235 : vector<800x1536xf32>
    %slice3A_237 = vector.extract_strided_slice %get3A_232 {offsets = [1, 0], sizes = [1, 1536], strides = [1, 1]} : vector<3x1536xf32> to vector<1x1536xf32>
    %sub3A_238 = vector.broadcast %slice3A_90 : vector<800x1xf32> to vector<800x1536xf32>
    %sub3A_239 = vector.broadcast %slice3A_237 : vector<1x1536xf32> to vector<800x1536xf32>
    %sub3A_240 = arith.subf %sub3A_238, %sub3A_239 : vector<800x1536xf32>
    %slice3A_241 = vector.extract_strided_slice %get3A_232 {offsets = [2, 0], sizes = [1, 1536], strides = [1, 1]} : vector<3x1536xf32> to vector<1x1536xf32>
    %sub3A_242 = vector.broadcast %slice3A_91 : vector<800x1xf32> to vector<800x1536xf32>
    %sub3A_243 = vector.broadcast %slice3A_241 : vector<1x1536xf32> to vector<800x1536xf32>
    %sub3A_244 = arith.subf %sub3A_242, %sub3A_243 : vector<800x1536xf32>
    %mul3A_245 = arith.mulf %sub3A_236, %sub3A_236 : vector<800x1536xf32>
    %mul3A_246 = arith.mulf %sub3A_240, %sub3A_240 : vector<800x1536xf32>
    %add3A_247 = arith.addf %mul3A_245, %mul3A_246 : vector<800x1536xf32>
    %mul3A_248 = arith.mulf %sub3A_244, %sub3A_244 : vector<800x1536xf32>
    %add3A_249 = arith.addf %add3A_247, %mul3A_248 : vector<800x1536xf32>
    %bitcast_convert_type3A_250 = tpu.bitcast %add3A_249 : vector<800x1536xf32> -> vector<800x1536xi32>
    %and3A_251 = arith.constant -8 : i32
    %and3A_252 = vector.broadcast %and3A_251 : i32 to vector<800x1536xi32>
    %and3A_253 = arith.andi %bitcast_convert_type3A_250, %and3A_252 : vector<800x1536xi32>
    %or3A_254 = arith.constant 5 : i32
    %or3A_255 = vector.broadcast %or3A_254 : i32 to vector<800x1536xi32>
    %or3A_256 = arith.ori %and3A_253, %or3A_255 : vector<800x1536xi32>
    %bitcast_convert_type3A_257 = tpu.bitcast %or3A_256 : vector<800x1536xi32> -> vector<800x1536xf32>
    %min3A_258 = arith.minimumf %min3A_229, %bitcast_convert_type3A_257 : vector<800x1536xf32>
    %get3A_259 = arith.constant 0 : index
    %get3A_260 = arith.constant 9216 : index
    %get3A_261 = vector.load %arg8[%get3A_259, %get3A_260] : memref<3x10496xf32, #tpu.memory_space<vmem>>, vector<3x1280xf32>
    %slice3A_262 = vector.extract_strided_slice %get3A_261 {offsets = [0, 0], sizes = [1, 1280], strides = [1, 1]} : vector<3x1280xf32> to vector<1x1280xf32>
    %sub3A_263 = vector.broadcast %slice3A : vector<800x1xf32> to vector<800x1280xf32>
    %sub3A_264 = vector.broadcast %slice3A_262 : vector<1x1280xf32> to vector<800x1280xf32>
    %sub3A_265 = arith.subf %sub3A_263, %sub3A_264 : vector<800x1280xf32>
    %slice3A_266 = vector.extract_strided_slice %get3A_261 {offsets = [1, 0], sizes = [1, 1280], strides = [1, 1]} : vector<3x1280xf32> to vector<1x1280xf32>
    %sub3A_267 = vector.broadcast %slice3A_90 : vector<800x1xf32> to vector<800x1280xf32>
    %sub3A_268 = vector.broadcast %slice3A_266 : vector<1x1280xf32> to vector<800x1280xf32>
    %sub3A_269 = arith.subf %sub3A_267, %sub3A_268 : vector<800x1280xf32>
    %slice3A_270 = vector.extract_strided_slice %get3A_261 {offsets = [2, 0], sizes = [1, 1280], strides = [1, 1]} : vector<3x1280xf32> to vector<1x1280xf32>
    %sub3A_271 = vector.broadcast %slice3A_91 : vector<800x1xf32> to vector<800x1280xf32>
    %sub3A_272 = vector.broadcast %slice3A_270 : vector<1x1280xf32> to vector<800x1280xf32>
    %sub3A_273 = arith.subf %sub3A_271, %sub3A_272 : vector<800x1280xf32>
    %mul3A_274 = arith.mulf %sub3A_265, %sub3A_265 : vector<800x1280xf32>
    %mul3A_275 = arith.mulf %sub3A_269, %sub3A_269 : vector<800x1280xf32>
    %add3A_276 = arith.addf %mul3A_274, %mul3A_275 : vector<800x1280xf32>
    %mul3A_277 = arith.mulf %sub3A_273, %sub3A_273 : vector<800x1280xf32>
    %add3A_278 = arith.addf %add3A_276, %mul3A_277 : vector<800x1280xf32>
    %bitcast_convert_type3A_279 = tpu.bitcast %add3A_278 : vector<800x1280xf32> -> vector<800x1280xi32>
    %and3A_280 = arith.constant -8 : i32
    %and3A_281 = vector.broadcast %and3A_280 : i32 to vector<800x1280xi32>
    %and3A_282 = arith.andi %bitcast_convert_type3A_279, %and3A_281 : vector<800x1280xi32>
    %or3A_283 = arith.constant 6 : i32
    %or3A_284 = vector.broadcast %or3A_283 : i32 to vector<800x1280xi32>
    %or3A_285 = arith.ori %and3A_282, %or3A_284 : vector<800x1280xi32>
    %bitcast_convert_type3A_286 = tpu.bitcast %or3A_285 : vector<800x1280xi32> -> vector<800x1280xf32>
    %reduce_min3A = arith.constant dense<0x7F800000> : vector<800xf32>
    %reduce_min3A_287 = vector.multi_reduction <minimumf>, %min3A_258, %reduce_min3A [1] : vector<800x1536xf32> to vector<800xf32>
    %broadcast_in_dim3A_288 = vector.shape_cast %reduce_min3A_287 : vector<800xf32> to vector<800x1xf32>
    %reduce_min3A_289 = arith.constant dense<0x7F800000> : vector<800xf32>
    %reduce_min3A_290 = vector.multi_reduction <minimumf>, %bitcast_convert_type3A_286, %reduce_min3A_289 [1] : vector<800x1280xf32> to vector<800xf32>
    %broadcast_in_dim3A_291 = vector.shape_cast %reduce_min3A_290 : vector<800xf32> to vector<800x1xf32>
    %min3A_292 = arith.minimumf %broadcast_in_dim3A_288, %broadcast_in_dim3A_291 : vector<800x1xf32>
    %iota3A = tpu.iota {dimensions = array<i32: 1>} : vector<800x1536xi32>
    %convert_element_type3A = arith.sitofp %iota3A : vector<800x1536xi32> to vector<800x1536xf32>
    %iota3A_293 = tpu.iota {dimensions = array<i32: 1>} : vector<800x1280xi32>
    %convert_element_type3A_294 = arith.sitofp %iota3A_293 : vector<800x1280xi32> to vector<800x1280xf32>
    %eq3A = vector.broadcast %min3A_292 : vector<800x1xf32> to vector<800x1536xf32>
    %eq3A_295 = arith.cmpf oeq, %min3A_258, %eq3A : vector<800x1536xf32>
    %jit3A = arith.constant 3.000000e+09 : f32
    %broadcast_in_dim3A_296 = vector.broadcast %jit3A : f32 to vector<800x1536xf32>
    %select_n3A = arith.select %eq3A_295, %convert_element_type3A, %broadcast_in_dim3A_296 : vector<800x1536xi1>, vector<800x1536xf32>
    %reduce_min3A_297 = arith.constant dense<0x7F800000> : vector<800xf32>
    %reduce_min3A_298 = vector.multi_reduction <minimumf>, %select_n3A, %reduce_min3A_297 [1] : vector<800x1536xf32> to vector<800xf32>
    %broadcast_in_dim3A_299 = vector.shape_cast %reduce_min3A_298 : vector<800xf32> to vector<800x1xf32>
    %eq3A_300 = vector.broadcast %min3A_292 : vector<800x1xf32> to vector<800x1280xf32>
    %eq3A_301 = arith.cmpf oeq, %bitcast_convert_type3A_286, %eq3A_300 : vector<800x1280xf32>
    %jit3A_302 = arith.constant 3.000000e+09 : f32
    %broadcast_in_dim3A_303 = vector.broadcast %jit3A_302 : f32 to vector<800x1280xf32>
    %select_n3A_304 = arith.select %eq3A_301, %convert_element_type3A_294, %broadcast_in_dim3A_303 : vector<800x1280xi1>, vector<800x1280xf32>
    %reduce_min3A_305 = arith.constant dense<0x7F800000> : vector<800xf32>
    %reduce_min3A_306 = vector.multi_reduction <minimumf>, %select_n3A_304, %reduce_min3A_305 [1] : vector<800x1280xf32> to vector<800xf32>
    %broadcast_in_dim3A_307 = vector.shape_cast %reduce_min3A_306 : vector<800xf32> to vector<800x1xf32>
    %min3A_308 = arith.minimumf %broadcast_in_dim3A_299, %broadcast_in_dim3A_307 : vector<800x1xf32>
    %convert_element_type3A_309 = arith.fptosi %min3A_308 : vector<800x1xf32> to vector<800x1xi32>
    %bitcast_convert_type3A_310 = tpu.bitcast %min3A_292 : vector<800x1xf32> -> vector<800x1xi32>
    %and3A_311 = arith.constant 7 : i32
    %and3A_312 = vector.broadcast %and3A_311 : i32 to vector<800x1xi32>
    %and3A_313 = arith.andi %bitcast_convert_type3A_310, %and3A_312 : vector<800x1xi32>
    %mul3A_314 = arith.constant 1536 : i32
    %mul3A_315 = vector.broadcast %mul3A_314 : i32 to vector<800x1xi32>
    %mul3A_316 = arith.muli %and3A_313, %mul3A_315 : vector<800x1xi32>
    %add3A_317 = arith.addi %mul3A_316, %convert_element_type3A_309 : vector<800x1xi32>
    %iota3A_318 = tpu.iota {dimensions = array<i32: 0>} : vector<800x1xi32>
    %mul3A_319 = arith.constant 800 : i32
    %mul3A_320 = arith.muli %arg0, %mul3A_319 : i32
    %add3A_321 = vector.broadcast %mul3A_320 : i32 to vector<800x1xi32>
    %add3A_322 = arith.addi %iota3A_318, %add3A_321 : vector<800x1xi32>
    %not3A = arith.constant dense<-1> : vector<800x1xi32>
    %not3A_323 = arith.xori %add3A_322, %not3A : vector<800x1xi32>
    %select_n3A_324 = arith.select %gt3A_89, %not3A_323, %add3A_317 : vector<800x1xi1>, vector<800x1xi32>
    %swap3A_325 = arith.constant 0 : index
    %swap3A_326 = arith.constant 0 : index
    %swap3A_327 = vector.load %arg22[%swap3A_325, %swap3A_326] : memref<800x1xi32, #tpu.memory_space<vmem>>, vector<800x1xi32>
    tpu.vector_store %arg22[%swap3A_325, %swap3A_326], %select_n3A_324 {strides = array<i32>} : memref<800x1xi32, #tpu.memory_space<vmem>>, vector<800x1xi32>,
    return
  }
  func.func @transform_0(%arg0: i32) -> (i32, i32) {
    %c0_i32 = arith.constant 0 : i32
    %c0_i32_0 = arith.constant 0 : i32
    %c0_i32_1 = arith.constant 0 : i32
    return %c0_i32, %c0_i32_0 : i32, i32
  }
  func.func @transform_1(%arg0: i32) -> (i32, i32) {
    %c0_i32 = arith.constant 0 : i32
    %c0_i32_0 = arith.constant 0 : i32
    %c0_i32_1 = arith.constant 0 : i32
    return %c0_i32, %c0_i32_0 : i32, i32
  }
  func.func @transform_2(%arg0: i32) -> (i32, i32) {
    %c0_i32 = arith.constant 0 : i32
    %c0_i32_0 = arith.constant 0 : i32
    %c0_i32_1 = arith.constant 0 : i32
    return %c0_i32, %c0_i32_0 : i32, i32
  }
  func.func @transform_3(%arg0: i32) -> (i32, i32) {
    %c0_i32 = arith.constant 0 : i32
    %c0_i32_0 = arith.constant 0 : i32
    %c0_i32_1 = arith.constant 0 : i32
    return %c0_i32, %c0_i32_0 : i32, i32
  }
  func.func @transform_4(%arg0: i32) -> (i32, i32) {
    %c0_i32 = arith.constant 0 : i32
    %c0_i32_0 = arith.constant 0 : i32
    %c0_i32_1 = arith.constant 0 : i32
    return %c0_i32, %c0_i32_0 : i32, i32
  }
  func.func @transform_5(%arg0: i32) -> (i32, i32) {
    %c0_i32 = arith.constant 0 : i32
    %c0_i32_0 = arith.constant 0 : i32
    %c0_i32_1 = arith.constant 0 : i32
    return %c0_i32, %c0_i32_0 : i32, i32
  }
  func.func @transform_6(%arg0: i32) -> (i32, i32) {
    %c0_i32 = arith.constant 0 : i32
    %c0_i32_0 = arith.constant 0 : i32
    %c0_i32_1 = arith.constant 0 : i32
    return %c0_i32, %c0_i32_0 : i32, i32
  }
  func.func @transform_7(%arg0: i32) -> (i32, i32) {
    %c0_i32 = arith.constant 0 : i32
    %c0_i32_0 = arith.constant 0 : i32
    %c0_i32_1 = arith.constant 0 : i32
    return %c0_i32, %c0_i32_0 : i32, i32
  }
  func.func @transform_8(%arg0: i32) -> (i32, i32) {
    %c0_i32 = arith.constant 0 : i32
    %c0_i32_0 = arith.constant 0 : i32
    return %arg0, %c0_i32 : i32, i32
  }
  func.func @transform_9(%arg0: i32) -> (i32, i32) {
    %c0_i32 = arith.constant 0 : i32
    %c0_i32_0 = arith.constant 0 : i32
    return %arg0, %c0_i32 : i32, i32
  }
  func.func @transform_10(%arg0: i32) -> (i32, i32) {
    %c0_i32 = arith.constant 0 : i32
    %c0_i32_0 = arith.constant 0 : i32
    return %arg0, %c0_i32 : i32, i32
  }
  func.func @transform_11(%arg0: i32) -> (i32, i32) {
    %c0_i32 = arith.constant 0 : i32
    %c0_i32_0 = arith.constant 0 : i32
    return %arg0, %c0_i32 : i32, i32
  }
  func.func @transform_12(%arg0: i32) -> (i32, i32) {
    %c0_i32 = arith.constant 0 : i32
    %c0_i32_0 = arith.constant 0 : i32
    return %arg0, %c0_i32 : i32, i32
  }
  func.func @transform_13(%arg0: i32) -> (i32, i32) {
    %c0_i32 = arith.constant 0 : i32
    %c0_i32_0 = arith.constant 0 : i32
    return %arg0, %c0_i32 : i32, i32
  }
  func.func @transform_14(%arg0: i32) -> (i32, i32) {
    %c0_i32 = arith.constant 0 : i32
    %c0_i32_0 = arith.constant 0 : i32
    return %arg0, %c0_i32 : i32, i32
  }
  func.func @transform_15(%arg0: i32) -> (i32, i32) {
    %c0_i32 = arith.constant 0 : i32
    %c0_i32_0 = arith.constant 0 : i32
    return %arg0, %c0_i32 : i32, i32
  }
  func.func @transform_16(%arg0: i32) -> (i32, i32) {
    %c0_i32 = arith.constant 0 : i32
    %c0_i32_0 = arith.constant 0 : i32
    return %arg0, %c0_i32 : i32, i32
  }
  func.func @transform_17(%arg0: i32) -> (i32, i32) {
    %c0_i32 = arith.constant 0 : i32
    %c0_i32_0 = arith.constant 0 : i32
    return %arg0, %c0_i32 : i32, i32
  }
  func.func @transform_18(%arg0: i32) -> (i32, i32) {
    %c0_i32 = arith.constant 0 : i32
    %c0_i32_0 = arith.constant 0 : i32
    return %arg0, %c0_i32 : i32, i32
  }
  func.func @transform_19(%arg0: i32) -> (i32, i32) {
    %c0_i32 = arith.constant 0 : i32
    %c0_i32_0 = arith.constant 0 : i32
    return %arg0, %c0_i32 : i32, i32
  }
  func.func @transform_20(%arg0: i32) -> (i32, i32) {
    %c0_i32 = arith.constant 0 : i32
    %c0_i32_0 = arith.constant 0 : i32
    return %arg0, %c0_i32 : i32, i32
  }
  func.func @transform_21(%arg0: i32) -> (i32, i32) {
    %c0_i32 = arith.constant 0 : i32
    %c0_i32_0 = arith.constant 0 : i32
    return %arg0, %c0_i32 : i32, i32
  }
}

</mosaic_0001>

<sc_bundles>
// kernel: kernel.4.cloned.1.call-start
scs
__scs_entry_jumppad:
0x0: {  	(pc) =	sbr.rel $0x88, $3  }
0x1: {  	(tag) =	ssettag $0x0;
	lr =	simm.s32 $0x1  }
0x2: {  	[smem:$0x3F87] =	sst lr;
	_ =	strace $0xD0000000  }
0x3: {  	_ = 	snop  }
0x4: {  	_ = 	snop  }
0x5: {  	_ = 	snop  }
0x6: {  	_ = 	snop  }
0x7: {  	_ = 	snop  }
__scs_overlays_trampoline_lowered:
0x8: {  	[smem:$0x3F96] =	sst s0  }
0x9: {  	[smem:$0x3F97] =	sst s1  }
0xa: {  	[smem:$0x3F98] =	sst s2  }
0xb: {  	[smem:$0x3F99] =	sst s3  }
0xc: {  	[smem:$0x3F9A] =	sst s4  }
0xd: {  	[smem:$0x3F9B] =	sst s5  }
0xe: {  	[smem:$0x3F9C] =	sst s6  }
0xf: {  	[smem:$0x3F9D] =	sst s7  }
0x10: {  	[smem:$0x3F9E] =	sst s8  }
0x11: {  	[smem:$0x3F9F] =	sst s9;
	s0 =	simm.s32 @!p0 $0x0  }
0x12: {  	s1 =	sld [smem:$0x3F85];
	s0 =	simm.s32 @p0 $0x1  }
0x13: {  	[smem:$0x3FA0] =	sst s0;
	s0 =	simm.s32 @!p1 $0x0  }
0x14: {  	s2 =	sld [smem:$0x3F84];
	s0 =	simm.s32 @p1 $0x1  }
0x15: {  	[smem:$0x3FA1] =	sst s0;
	s0 =	simm.s32 @!p2 $0x0  }
0x16: {  	s3 =	sld [smem:$0x3FDB];
	s0 =	simm.s32 @p2 $0x1  }
0x17: {  	s4 =	simm.s32 $0x1BF5;
	[smem:$0x3FA3] =	sst s0  }
0x18: {  	s0 =	sld [smem:$0x3F86];
	_ =	swait.ge [sflag:s4], $0x0  }
0x19: {  	s7 =	sld [smem:$0x3F87]  }
0x1a: {  	s8 =	sadd.s32 $0xFFFFE003, lr  }
0x1b: {  	s9 =	sadd.s32 $0xFFFFFEF7, lr;
	s5 =	simm.s32 $0xFFFFFFFF;
	p2 =	slt.u32 s8, $0xFFFFF086  }
0x1c: {  	p1 =	slt.u32 s9, $0xF7A;
	s5 =	simm.s32 @!p2 $0x0  }
0x1d: {  	s5 =	simm.s32 @p1 $0x1;
	p0 =	seq.s32 s7, s2  }
0x1e: {  	s7 =	smul.u32 @!p0 $0xF7A, s2;
	p2 =	seq.s32 @!p0 s5, $0x0  }
0x1f: {  	s9 =	smul.u32 $0xF7A, s1;
	s8 =	simm.s32 @!p0 $0x1BF5;
	p2 =	por !p2, p0  }
0x20: {  	[sflag:s8] =	ssyncset.s32 @!p0 $0xFFFFF086;
	s6 =	sadd.s32 @!p0 s3, s7;
	s7 =	simm.s32 @!p0 $0x108  }
0x21: {  	s3 =	sadd.s32 s3, s9;
	s6 =	sadd.s32 @!p0 $0x88, s6;
	s7 =	simm.s32 @p2 $0x1082  }
0x22: {  	[simem:s7], [sflag:s8] =	dma.local @!p0 [hbm:s6], $0xF7A  }
0x23: {  	s9 =	sor.u32 $0xD0000000, s2;
	s6 =	simm.s32 $0x108;
	_ =	swait.ge @!p0 [sflag:s8], $0x0  }
0x24: {  	s3 =	sadd.s32 $0x88, s3;
	s6 =	simm.s32 @!p1 $0x1082;
	[sflag:s4] =	ssyncset.s32 $0xFFFFF086  }
0x25: {  	[simem:s6], [sflag:s4] =	dma.local [hbm:s3], $0xF7A  }
0x26: {  	[smem:$0x3F87] =	sst s1;
	(tag) =	ssettag s2;
	_ =	strace s9  }
0x27: {  	s1 =	sld [smem:$0x3F97]  }
0x28: {  	s2 =	sld [smem:$0x3F98]  }
0x29: {  	s4 =	sld [smem:$0x3F9A]  }
0x2a: {  	p0 =	seq.s32 s5, $0x0;
	s5 =	sld [smem:$0x3F9B]  }
0x2b: {  	s6 =	sld [smem:$0x3F9C]  }
0x2c: {  	s7 =	sld [smem:$0x3F9D]  }
0x2d: {  	s3 =	simm.s32 $0x108;
	s8 =	sld [smem:$0x3F9E]  }
0x2e: {  	s3 =	simm.s32 @!p0 $0x1082;
	s9 =	sld [smem:$0x3F9F]  }
0x2f: {  	lr =	sadd.s32 s0, s3;
	s0 =	sld [smem:$0x3F96]  }
0x30: {  	s3 =	sld [smem:$0x3F99]  }
0x31: {  	[smem:$0x3FA2] =	sst s10  }
0x32: {  	s10 =	sld [smem:$0x3FA0];
	_ =	sdelay $0x3  }
0x33: {  	p0 =	seq.s32 s10, $0x1;
	s10 =	sld [smem:$0x3FA2];
	_ =	sdelay $0x3  }
0x34: {  	[smem:$0x3FA2] =	sst s10  }
0x35: {  	s10 =	sld [smem:$0x3FA1];
	_ =	sdelay $0x3  }
0x36: {  	p1 =	seq.s32 s10, $0x1;
	s10 =	sld [smem:$0x3FA2];
	_ =	sdelay $0x3  }
0x37: {  	[smem:$0x3FA2] =	sst s10  }
0x38: {  	s10 =	sld [smem:$0x3FA3]  }
0x39: {  	_ = 	snop;
	(pc) =	sbr.ind lr, $3  }
0x3a: {  	_ = 	snop  }
0x3b: {  	_ = 	snop  }
0x3c: {  	p2 =	seq.s32 s10, $0x1;
	s10 =	sld [smem:$0x3FA2]  }
0x3d: {  	_ =	shalt  }
0x3e: {  	_ =	shalt  }
0x3f: {  	_ =	shalt  }
0x40: {  	_ =	shalt  }
0x41: {  	_ =	shalt  }
0x42: {  	_ =	shalt  }
0x43: {  	_ =	shalt  }
0x44: {  	_ =	shalt  }
0x45: {  	_ =	shalt  }
0x46: {  	_ =	shalt  }
0x47: {  	_ =	shalt  }
0x48: {  	_ =	shalt  }
0x49: {  	_ =	shalt  }
0x4a: {  	_ =	shalt  }
0x4b: {  	_ =	shalt  }
0x4c: {  	_ =	shalt  }
0x4d: {  	_ =	shalt  }
0x4e: {  	_ =	shalt  }
0x4f: {  	_ =	shalt  }
0x50: {  	_ =	shalt  }
0x51: {  	_ =	shalt  }
0x52: {  	_ =	shalt  }
0x53: {  	_ =	shalt  }
0x54: {  	_ =	shalt  }
0x55: {  	_ =	shalt  }
0x56: {  	_ =	shalt  }
0x57: {  	_ =	shalt  }
0x58: {  	_ =	shalt  }
0x59: {  	_ =	shalt  }
0x5a: {  	_ =	shalt  }
0x5b: {  	_ =	shalt  }
0x5c: {  	_ =	shalt  }
0x5d: {  	_ =	shalt  }
0x5e: {  	_ =	shalt  }
0x5f: {  	_ =	shalt  }
0x60: {  	_ =	shalt  }
0x61: {  	_ =	shalt  }
0x62: {  	_ =	shalt  }
0x63: {  	_ =	shalt  }
0x64: {  	_ =	shalt  }
0x65: {  	_ =	shalt  }
0x66: {  	_ =	shalt  }
0x67: {  	_ =	shalt  }
0x68: {  	_ =	shalt  }
0x69: {  	_ =	shalt  }
0x6a: {  	_ =	shalt  }
0x6b: {  	_ =	shalt  }
0x6c: {  	_ =	shalt  }
0x6d: {  	_ =	shalt  }
0x6e: {  	_ =	shalt  }
0x6f: {  	_ =	shalt  }
0x70: {  	_ =	shalt  }
0x71: {  	_ =	shalt  }
0x72: {  	_ =	shalt  }
0x73: {  	_ =	shalt  }
0x74: {  	_ =	shalt  }
0x75: {  	_ =	shalt  }
0x76: {  	_ =	shalt  }
0x77: {  	_ =	shalt  }
0x78: {  	_ =	shalt  }
0x79: {  	_ =	shalt  }
0x7a: {  	_ =	shalt  }
0x7b: {  	_ =	shalt  }
0x7c: {  	_ =	shalt  }
0x7d: {  	_ =	shalt  }
0x7e: {  	_ =	shalt  }
0x7f: {  	_ =	shalt  }
0x80: {  	_ =	shalt  }
0x81: {  	_ =	shalt  }
0x82: {  	_ =	shalt  }
0x83: {  	_ =	shalt  }
0x84: {  	_ =	shalt  }
0x85: {  	_ =	shalt  }
0x86: {  	_ =	shalt  }
0x87: {  	_ =	shalt  }
.Lfunc_end0:
.L_simem_size_0:
called_computation_lowered:
.L_overlay_start_0:
0x88: {  	s2 =	sld [smem:$0x3FD9]  }
0x89: {  	s3 =	sld [smem:$0x3FFE];
	_ =	sdelay $0x1  }
0x8a: {  	s1 =	srdreg.scid  }
0x8b: {  	s0 =	sand.u32 $0x1, s1  }
0x8c: {  	s14 =	sshll.u32 s0, $0xA;
	s2 =	sadd.s32 s3, s2  }
0x8d: {  	s2 =	sadd.s32 s2, s14  }
0x8e: {  	[smem:$0x3FAE] =	sst s2  }
0x8f: {  	_ = 	snop  }
0x90: {  	s2 =	sld [smem:$0x3FD0];
	_ =	sdelay $0x2  }
0x91: {  	s15 =	simm.s32 $0xA;
	s4 =	simm.s32 $0x10  }
0x92: {  	[smem:s4], [sflag:s15] =	dma.local [hbm:s2], $0x1  }
0x93: {  	_ =	swait.eq [sflag:s15], $0x1  }
0x94: {  	[sflag:s15] =	ssyncset.done $0x0  }
0x95: {  	s16 =	sld [smem:$0x11];
	[sflag:s15] =	ssyncadd.s32 $0xFFFFFFFF  }
0x96: {  	s17 =	sld [smem:$0x13];
	(tm) =	ssettm $0x1  }
0x97: {  	s18 =	sld [smem:$0x3FFB];
	_ =	sdelay $0x3  }
0x98: {  	_ =	strace s18  }
0x99: {  	s4 =	sld [smem:$0x3FFC];
	_ =	sdelay $0x3  }
0x9a: {  	_ =	strace s4  }
0x9b: {  	s4 =	sld [smem:$0x3FFD];
	_ =	sdelay $0x3  }
0x9c: {  	_ =	strace s4  }
0x9d: {  	_ =	strace $0x8FFFFFFF  }
0x9e: {  	s19 =	sld [smem:$0x3FDB];
	_ =	sdelay $0x1  }
0x9f: {  	s5 =	simm.s32 $_scs_section_size  }
0xa0: {  	s6 =	simm.s32 $_size__tile_overlayer_lowered;
	s7 =	simm.s32 $_tile_overlayer_lowered  }
0xa1: {  	s22 =	simm.s32 $0x1BFF;
	s21 =	sshll.u32 s7, $0x1;
	s4 =	sadd.s32 s5, s19  }
0xa2: {  	s8 =	simm.s32 $0x0;
	s20 =	sshll.u32 s6, $0x1;
	s6 =	sadd.s32 s21, s4  }
0xa3: {  	[timem:s8], [sflag:s22] =	dma.local [hbm:s6], s20  }
0xa4: {  	_ =	swait.ge [sflag:s22], s20  }
0xa5: {  	s5 =	ssub.s32 $0x0, s20;
	[sflag:s22] =	ssyncset.done $0x0  }
0xa6: {  	[sflag:s22] =	ssyncadd.s32 s5;
	_ =	sdelay $0x1  }
0xa7: {  	s23 =	simm.s32 $0x1B8B  }
0xa8: {  	_ =	swait.ge [sflag:s23], $0x1  }
0xa9: {  	[sflag:s23] =	ssyncset.done $0x0  }
0xaa: {  	s25 =	simm.s32 $0x1B8E;
	s24 =	sld [smem:$0x3FFE];
	[sflag:s23] =	ssyncadd.s32 $0xFFFFFFFF  }
0xab: {  	s26 =	simm.s32 $execute0_lowered;
	[smem:$0x3FD2] =	sst s25  }
0xac: {  	s6 =	sshll.u32 s26, $0x1;
	_ =	strace $0x80000046;
	[dreg:$0x1] =	wrdreg $0xFFFFFFFF  }
0xad: {  	s28 =	simm.s32 $_size_execute0_lowered;
	s4 =	sadd.s32 s4, s6;
	[dreg:$0x0] =	wrdreg $0x0  }
0xae: {  	s6 =	sshll.u32 s28, $0x1;
	[dreg:$0x2] =	wrdreg s4  }
0xaf: {  	[dreg:$0x3] =	wrdreg s6  }
0xb0: {  	[dreg:$0x4] =	wrdreg $0xC0  }
0xb1: {  	_ =	task [dreg:s8], $0x5FFFF  }
0xb2: {  	[dreg:$0x1] =	wrdreg $0xFFFFFFFF  }
0xb3: {  	[dreg:$0x0] =	wrdreg $0x60  }
0xb4: {  	[dreg:$0x2] =	wrdreg s17  }
0xb5: {  	[dreg:$0x3] =	wrdreg s16  }
0xb6: {  	[dreg:$0x4] =	wrdreg s24  }
0xb7: {  	[dreg:$0x5] =	wrdreg $0x9  }
0xb8: {  	_ =	task.clear_ibuf [dreg:s8], $0x6FFFF;
	_ =	strace $0x90000046  }
0xb9: {  	s29 =	simm.s32 $0x9;
	_ =	strace $0x80000048  }
0xba: {  	_ =	swait.ge [sflag:s29], $0x1  }
0xbb: {  	[sflag:s29] =	ssyncadd.s32 $0xFFFFFFFF  }
0xbc: {  	_ =	strace $0x90000048  }
0xbd: {  	_ =	sfence  }
0xbe: {  	s30 =	sld [smem:$0x0];
	_ =	sdelay $0x2  }
0xbf: {  	s31 =	sshll.u32 s1, $0xD;
	s1 =	sshrl.u32 s1, $0x2  }
0xc0: {  	s3 =	sand.u32 $0x4000, s31;
	s1 =	sadd.s32 s1, s30  }
0xc1: {  	s0 =	sor.u32 s3, s0;
	s1 =	sshll.u32 s1, $0x11  }
0xc2: {  	s0 =	sor.u32 s1, s0  }
0xc3: {  	s0 =	sadd.s32 $0x8F2B, s0  }
0xc4: {  	[sflag:s0] =	ssyncadd.remote.s32 $0x1  }
0xc5: {  	_ =	sfence.sel $0xFFFF  }
0xc6: {  	[dreg:$0x0] =	wrdreg $0xFFFFFFFF;
	(pc) =	sbr.abs _section_cstart, $3  }
0xc7: {  	[dreg:$0x1] =	wrdreg $0xFFFFFFFF  }
0xc8: {  	_ =	task.clear_ibuf [dreg:s8], $0x2FFFF;
	_ =	strace $0x9FFFFFFF  }
0xc9: {  	(tm) =	ssettm $0x7FFFFFFF  }
tec
execute0_lowered:
.L_overlay_start_1:
0x0: {  	(tag) =	ssettag $0x1  }
0x1: {  	s8 =	rddreg [dreg:$0x0];
	s1 =	srdreg.scid  }
0x2: {  	s0 =	stileid.u32;
	s2 =	rddreg [dreg:$0x1]  }
0x3: {  	s6 =	rddreg [dreg:$0x2];
	s11 =	simm.s32 $0x80;
	s12 =	simm.s32 $0x1  }
0x4: {  	s13 =	simm.s32 $0x180;
	s14 =	simm.s32 $0x200;
	s15 =	simm.s32 $0x0  }
0x5: {  	s4 =	sand.u32 $0x1, s1;
	s5 =	smul.u32 $0x30, s0;
	s3 =	sshll.u32 s0, $0x1  }
0x6: {  	s1 =	rddreg [dreg:$0x3];
	p0 =	slt.u32 s0, $0x7;
	s7 =	smul.u32 $0x18, s4  }
0x7: {  	s9 =	sor.u32 s4, s3;
	s3 =	simm.s32 $0x0;
	s28 =	ssub.s32 $0x2, s4  }
0x8: {  	s4 =	sadd.s32 $0x18C400, s6;
	s9 =	smin.u32 s9, $0xE;
	s5 =	sadd.s32 s7, s5  }
0x9: {  	[smem:$0x7FF] =	sst s3;
	s29 =	sshrl.u32 s28, $0x1;
	s7 =	sadd.s32 s9, s5  }
0xa: {  	_ =	strace $0x80000047;
	s30 =	ssub.s32 s28, s29;
	s5 =	sshll.u32 s7, $0xB  }
0xb: {  	s9 =	simm.s32 $0x2;
	s31 =	sshll.u32 s7, $0x4;
	s10 =	sadd.s32 s5, s6  }
0xc: {  	s5 =	simm.s32 $0x19;
	s6 =	smax.u32 s30, $0x1;
	s8 =	sadd.s32 s31, s8  }
0xd: {  	s5 =	simm.s32 @!p0 $0x18;
	s7 =	sadd.s32 $0x312E00, s10;
	s10 =	simm.s32 $0x100  }
.LBB2_1:
0xe: {  	p1 =	sne.s32 s5, $0x1  }
.Ltmp0:
0xf: {  	_ = 	snop;
	(pc) =	sbr.rel @!p1 .LBB2_6-.Ltmp0, $3  }
0x10: {  	_ =	sdelay $0x1  }
0x11: {  	s20 =	sadd.s32 $0xFFFFFFFF, s5;
	s16 =	sadd.s32 $0x800, s7;
	s17 =	sadd.s32 $0x10, s8  }
0x12: {  	p0 =	por $0x0, $0x0;
	s19 =	smov.u32 s7;
	s21 =	smov.u32 s8  }
0x13: {  	[tilespmem:s3], [sflag:$0x2] =	stream.linear.gather [hbm4b:s8+s3], $0x80, $0x38;
	[tilespmem:$0x4200] =	vst v63  }
0x14: {  	_ =	swait.ge [sflag:s9], $0x80  }
0x15: {  	[sflag:s9] =	ssyncset.done $0x0  }
0x16: {  	[sflag:s9] =	ssyncadd.s32 $0xFFFFFF80  }
0x17: {  	v0 =	vld [tilespmem:$0x20]  }
0x18: {  	v1 =	vld [tilespmem:$0x70]  }
0x19: {  	v2 =	vld [tilespmem:$0x60]  }
0x1a: {  	v3 =	vld [tilespmem:$0x30]  }
0x1b: {  	v4 =	vld [tilespmem:$0x0]  }
0x1c: {  	v5 =	vld [tilespmem:$0x10];
	vm0 =	vgt.s32 v0, $0x0  }
0x1d: {  	v6 =	vld [tilespmem:$0x50];
	vm1 =	vgt.s32 v1, $0x0;
	v0 =	vnsel vm0, $0x0, v0  }
0x1e: {  	v7 =	vld [tilespmem:$0x40];
	vm14 =	vgt.s32 v2, $0x0;
	v1 =	vnsel vm1, $0x0, v1;
	[tilespmem:$0x120] =	vst v0  }
0x1f: {  	vm15 =	vgt.s32 v3, $0x0;
	v39 =	vnsel vm14, $0x0, v2;
	[tilespmem:$0x170] =	vst v1  }
0x20: {  	vm4 =	vgt.s32 v4, $0x0;
	v40 =	vnsel vm15, $0x0, v3;
	[tilespmem:$0x160] =	vst v39  }
0x21: {  	vm5 =	vgt.s32 v5, $0x0;
	v41 =	vnsel vm4, $0x0, v4;
	[tilespmem:$0x130] =	vst v40  }
0x22: {  	vm6 =	vgt.s32 v6, $0x0;
	v42 =	vnsel vm5, $0x0, v5;
	[tilespmem:$0x100] =	vst v41  }
0x23: {  	vm7 =	vgt.s32 v7, $0x0;
	v43 =	vnsel vm6, $0x0, v6;
	[tilespmem:$0x110] =	vst v42  }
0x24: {  	v44 =	vnsel vm7, $0x0, v7;
	[tilespmem:$0x150] =	vst v43  }
0x25: {  	[tilespmem:$0x140] =	vst v44  }
0x26: {  	[tilespmem:s11], [sflag:$0x1] =	stream.indirect.gather [hbm4b:s2+s11], $0x1, s10, s11, $0xb8;
	[tilespmem:$0x4200] =	vst v63  }
0x27: {  	_ =	swait.ge [sflag:s12], $0x80  }
0x28: {  	[sflag:s12] =	ssyncset.done $0x0  }
0x29: {  	[sflag:s12] =	ssyncadd.s32 $0xFFFFFF80  }
0x2a: {  	v45 =	vld [tilespmem:$0xE0]  }
0x2b: {  	v46 =	vld [tilespmem:$0x80]  }
0x2c: {  	v47 =	vld [tilespmem:$0xD0]  }
0x2d: {  	v48 =	vld [tilespmem:$0x40]  }
0x2e: {  	v49 =	vld [tilespmem:$0xB0]  }
0x2f: {  	v50 =	vld [tilespmem:$0x30]  }
0x30: {  	v51 =	vld [tilespmem:$0x50]  }
0x31: {  	v52 =	vld [tilespmem:$0xC0]  }
0x32: {  	v8 =	vld [tilespmem:$0x0]  }
0x33: {  	v9 =	vld [tilespmem:$0x10]  }
0x34: {  	v10 =	vld [tilespmem:$0x60]  }
0x35: {  	v11 =	vld [tilespmem:$0x20]  }
0x36: {  	v53 =	vld [tilespmem:$0x90];
	vm8 =	vlt.s32 v48, $0x0;
	v3 =	vxor.u32 $0xFFFFFFFF, v48  }
0x37: {  	v55 =	vld [tilespmem:$0x70];
	vm9 =	vlt.s32 v51, $0x0;
	v6 =	vxor.u32 $0xFFFFFFFF, v51;
	v3 =	vsel vm8, v3, v52  }
0x38: {  	v56 =	vld [tilespmem:$0xF0];
	vm10 =	vlt.s32 v8, $0x0;
	v54 =	vxor.u32 $0xFFFFFFFF, v8;
	v2 =	vsel vm9, v6, v47;
	[tilespmem:$0x1C0] =	vst v3  }
0x39: {  	v12 =	vld [tilespmem:$0xA0];
	vm11 =	vlt.s32 v50, $0x0;
	v5 =	vxor.u32 $0xFFFFFFFF, v50;
	v1 =	vsel vm10, v54, v46;
	[tilespmem:$0x1D0] =	vst v2  }
0x3a: {  	p1 =	sne.s32 s20, $0x1;
	vm12 =	vlt.s32 v10, $0x0;
	v58 =	vxor.u32 $0xFFFFFFFF, v10;
	v57 =	vsel vm11, v5, v49;
	[tilespmem:$0x180] =	vst v1  }
.Ltmp1:
0x3b: {  	vm14 =	vlt.s32 v9, $0x0;
	v60 =	vxor.u32 $0xFFFFFFFF, v9;
	v0 =	vsel vm12, v58, v45;
	[tilespmem:$0x1B0] =	vst v57;
	(pc) =	sbr.rel @!p1 .LBB2_3-.Ltmp1, $4  }
0x3c: {  	vm15 =	vlt.s32 v55, $0x0;
	v62 =	vxor.u32 $0xFFFFFFFF, v55;
	v61 =	vsel vm14, v60, v53;
	[tilespmem:$0x1E0] =	vst v0  }
0x3d: {  	vm13 =	vlt.s32 v11, $0x0;
	v59 =	vxor.u32 $0xFFFFFFFF, v11;
	v63 =	vsel vm15, v62, v56;
	[tilespmem:$0x190] =	vst v61  }
0x3e: {  	s19 =	sadd.s32 $0xFFFFFFFF, s20;
	s20 =	sadd.s32 $0x800, s16;
	v1 =	vsel vm13, v59, v12;
	[tilespmem:$0x1F0] =	vst v63  }
0x3f: {  	s21 =	sadd.s32 $0x10, s17;
	p0 =	por $0x1, $0x1;
	s18 =	smov.u32 s7;
	[tilespmem:$0x1A0] =	vst v1  }
.LBB2_4:
0x40: {  	[tilespmem:s14], [sflag:$0x1] =	stream.indirect.gather [hbm4b:s4+s11], $0x80, s13, s11, $0xb8;
	[tilespmem:$0x4200] =	vst v63  }
0x41: {  	p1 =	sne.s32 s19, $0x1;
	s19 =	sadd.s32 $0xFFFFFFFF, s19;
	_ =	swait.ge [sflag:s12], $0x4000  }
0x42: {  	[sflag:s12] =	ssyncset.done $0x0  }
0x43: {  	[sflag:s12] =	ssyncadd.s32 $0xFFFFC000  }
0x44: {  	[hbm4b:s18+s3] =	stream.linear.scatter [tilespmem:s14], [sflag:$0x2], $0x4000, $0x38;
	[tilespmem:$0x4200] =	vst v63  }
0x45: {  	s18 =	smov.u32 s16;
	s16 =	smov.u32 s20;
	_ =	swait.ge [sflag:s9], $0x4000  }
0x46: {  	[sflag:s9] =	ssyncset.done $0x0  }
0x47: {  	[sflag:s9] =	ssyncadd.s32 $0xFFFFC000  }
0x48: {  	[tilespmem:s3], [sflag:$0x2] =	stream.linear.gather [hbm4b:s17+s3], $0x80, $0x38;
	[tilespmem:$0x4200] =	vst v63  }
0x49: {  	s17 =	smov.u32 s21;
	_ =	swait.ge [sflag:s9], $0x80  }
0x4a: {  	[sflag:s9] =	ssyncset.done $0x0  }
0x4b: {  	[sflag:s9] =	ssyncadd.s32 $0xFFFFFF80  }
0x4c: {  	v0 =	vld [tilespmem:$0x70]  }
0x4d: {  	v1 =	vld [tilespmem:$0x20]  }
0x4e: {  	v2 =	vld [tilespmem:$0x40]  }
0x4f: {  	v3 =	vld [tilespmem:$0x60]  }
0x50: {  	v4 =	vld [tilespmem:$0x30]  }
0x51: {  	v5 =	vld [tilespmem:$0x0]  }
0x52: {  	vm1 =	vgt.s32 v0, $0x0;
	v6 =	vld [tilespmem:$0x10];
	vm0 =	vgt.s32 v1, $0x0  }
0x53: {  	v0 =	vnsel vm1, $0x0, v0;
	v1 =	vnsel vm0, $0x0, v1;
	v7 =	vld [tilespmem:$0x50]  }
0x54: {  	[tilespmem:$0x120] =	vst v1;
	vm0 =	vgt.s32 v3, $0x0  }
0x55: {  	vm1 =	vgt.s32 v4, $0x0;
	v1 =	vnsel vm0, $0x0, v3;
	[tilespmem:$0x170] =	vst v0  }
0x56: {  	vm0 =	vgt.s32 v5, $0x0;
	v0 =	vnsel vm1, $0x0, v4;
	[tilespmem:$0x160] =	vst v1  }
0x57: {  	vm1 =	vgt.s32 v2, $0x0;
	v1 =	vnsel vm0, $0x0, v5;
	vm0 =	vgt.s32 v6, $0x0;
	[tilespmem:$0x130] =	vst v0  }
0x58: {  	[tilespmem:$0x100] =	vst v1;
	v0 =	vnsel vm0, $0x0, v6;
	v1 =	vnsel vm1, $0x0, v2;
	vm0 =	vgt.s32 v7, $0x0  }
0x59: {  	[tilespmem:$0x110] =	vst v0;
	v0 =	vnsel vm0, $0x0, v7  }
0x5a: {  	[tilespmem:$0x150] =	vst v0  }
0x5b: {  	[tilespmem:$0x140] =	vst v1  }
0x5c: {  	[tilespmem:s11], [sflag:$0x1] =	stream.indirect.gather [hbm4b:s2+s11], $0x1, s10, s11, $0xb8;
	[tilespmem:$0x4200] =	vst v63  }
0x5d: {  	_ =	swait.ge [sflag:s12], $0x80  }
0x5e: {  	[sflag:s12] =	ssyncset.done $0x0  }
0x5f: {  	[sflag:s12] =	ssyncadd.s32 $0xFFFFFF80  }
0x60: {  	v0 =	vld [tilespmem:$0xE0]  }
0x61: {  	v1 =	vld [tilespmem:$0x80]  }
0x62: {  	v2 =	vld [tilespmem:$0xD0]  }
0x63: {  	v3 =	vld [tilespmem:$0x40]  }
0x64: {  	v4 =	vld [tilespmem:$0xB0]  }
0x65: {  	v5 =	vld [tilespmem:$0x30]  }
0x66: {  	v6 =	vld [tilespmem:$0x50]  }
0x67: {  	v7 =	vld [tilespmem:$0xC0]  }
0x68: {  	v8 =	vld [tilespmem:$0x0];
	vm0 =	vlt.s32 v3, $0x0;
	v3 =	vxor.u32 $0xFFFFFFFF, v3  }
0x69: {  	v9 =	vld [tilespmem:$0x10]  }
0x6a: {  	v10 =	vld [tilespmem:$0x60]  }
0x6b: {  	v11 =	vld [tilespmem:$0x20];
	vm1 =	vlt.s32 v6, $0x0;
	v6 =	vxor.u32 $0xFFFFFFFF, v6  }
0x6c: {  	v12 =	vld [tilespmem:$0xA0];
	v3 =	vsel vm0, v3, v7;
	v2 =	vsel vm1, v6, v2  }
0x6d: {  	vm0 =	vlt.s32 v8, $0x0;
	v6 =	vxor.u32 $0xFFFFFFFF, v8;
	v7 =	vld [tilespmem:$0x90];
	[tilespmem:$0x1C0] =	vst v3  }
0x6e: {  	v3 =	vxor.u32 $0xFFFFFFFF, v5;
	v1 =	vsel vm0, v6, v1;
	vm0 =	vlt.s32 v5, $0x0;
	[tilespmem:$0x1D0] =	vst v2;
	v2 =	vld [tilespmem:$0x70]  }
0x6f: {  	[tilespmem:$0x180] =	vst v1;
	v1 =	vsel vm0, v3, v4;
	vm0 =	vlt.s32 v10, $0x0;
	v3 =	vxor.u32 $0xFFFFFFFF, v10;
	v4 =	vld [tilespmem:$0xF0]  }
0x70: {  	vm1 =	vlt.s32 v9, $0x0;
	vm2 =	vlt.s32 v11, $0x0;
	[tilespmem:$0x1B0] =	vst v1;
	v0 =	vsel vm0, v3, v0  }
.Ltmp2:
0x71: {  	v1 =	vxor.u32 $0xFFFFFFFF, v9;
	v3 =	vxor.u32 $0xFFFFFFFF, v11;
	(pc) =	sbr.rel @p1 .LBB2_4-.Ltmp2, $4  }
0x72: {  	v3 =	vsel vm2, v3, v12;
	v1 =	vsel vm1, v1, v7;
	[tilespmem:$0x1E0] =	vst v0  }
0x73: {  	[tilespmem:$0x1A0] =	vst v3;
	vm0 =	vlt.s32 v2, $0x0;
	v0 =	vxor.u32 $0xFFFFFFFF, v2  }
0x74: {  	[tilespmem:$0x190] =	vst v1;
	v0 =	vsel vm0, v0, v4  }
0x75: {  	s20 =	sadd.s32 $0x800, s20;
	s21 =	sadd.s32 $0x10, s21;
	[tilespmem:$0x1F0] =	vst v0  }
0x76: {  	s19 =	smov.u32 s16;
	s21 =	smov.u32 s17  }
.LBB2_6:
0x77: {  	[tilespmem:s14], [sflag:$0x1] =	stream.indirect.gather @p0 [hbm4b:s4+s11], $0x80, s13, s11, $0xb8;
	[tilespmem:$0x4200] =	vst v63  }
0x78: {  	_ =	swait.ge @p0 [sflag:s12], $0x4000  }
0x79: {  	[sflag:s12] =	ssyncset.done @p0 $0x0  }
0x7a: {  	[sflag:s12] =	ssyncadd.s32 @p0 $0xFFFFC000  }
0x7b: {  	[hbm4b:s18+s3] =	stream.linear.scatter @p0 [tilespmem:s14], [sflag:$0x2], $0x4000, $0x38;
	[tilespmem:$0x4200] =	vst v63  }
0x7c: {  	_ =	swait.ge @p0 [sflag:s9], $0x4000  }
0x7d: {  	[sflag:s9] =	ssyncset.done @p0 $0x0  }
0x7e: {  	[sflag:s9] =	ssyncadd.s32 @p0 $0xFFFFC000  }
0x7f: {  	[tilespmem:s3], [sflag:$0x2] =	stream.linear.gather [hbm4b:s21+s3], $0x80, $0x38;
	[tilespmem:$0x4200] =	vst v63  }
0x80: {  	_ =	swait.ge [sflag:s9], $0x80  }
0x81: {  	[sflag:s9] =	ssyncset.done $0x0  }
0x82: {  	[sflag:s9] =	ssyncadd.s32 $0xFFFFFF80  }
0x83: {  	v0 =	vld [tilespmem:$0x20]  }
0x84: {  	v1 =	vld [tilespmem:$0x70]  }
0x85: {  	v2 =	vld [tilespmem:$0x60]  }
0x86: {  	v3 =	vld [tilespmem:$0x30]  }
0x87: {  	v4 =	vld [tilespmem:$0x0]  }
0x88: {  	v5 =	vld [tilespmem:$0x10];
	vm0 =	vgt.s32 v0, $0x0  }
0x89: {  	v6 =	vld [tilespmem:$0x50];
	vm1 =	vgt.s32 v1, $0x0;
	v0 =	vnsel vm0, $0x0, v0  }
0x8a: {  	v7 =	vld [tilespmem:$0x40];
	vm14 =	vgt.s32 v2, $0x0;
	v1 =	vnsel vm1, $0x0, v1;
	[tilespmem:$0x120] =	vst v0  }
0x8b: {  	vm15 =	vgt.s32 v3, $0x0;
	v39 =	vnsel vm14, $0x0, v2;
	[tilespmem:$0x170] =	vst v1  }
0x8c: {  	vm4 =	vgt.s32 v4, $0x0;
	v40 =	vnsel vm15, $0x0, v3;
	[tilespmem:$0x160] =	vst v39  }
0x8d: {  	vm5 =	vgt.s32 v5, $0x0;
	v41 =	vnsel vm4, $0x0, v4;
	[tilespmem:$0x130] =	vst v40  }
0x8e: {  	vm6 =	vgt.s32 v6, $0x0;
	v42 =	vnsel vm5, $0x0, v5;
	[tilespmem:$0x100] =	vst v41  }
0x8f: {  	vm7 =	vgt.s32 v7, $0x0;
	v43 =	vnsel vm6, $0x0, v6;
	[tilespmem:$0x110] =	vst v42  }
0x90: {  	v44 =	vnsel vm7, $0x0, v7;
	[tilespmem:$0x150] =	vst v43  }
0x91: {  	[tilespmem:$0x140] =	vst v44  }
0x92: {  	[tilespmem:s11], [sflag:$0x1] =	stream.indirect.gather [hbm4b:s2+s11], $0x1, s10, s11, $0xb8;
	[tilespmem:$0x4200] =	vst v63  }
0x93: {  	_ =	swait.ge [sflag:s12], $0x80  }
0x94: {  	[sflag:s12] =	ssyncset.done $0x0  }
0x95: {  	[sflag:s12] =	ssyncadd.s32 $0xFFFFFF80  }
0x96: {  	v45 =	vld [tilespmem:$0xE0]  }
0x97: {  	v46 =	vld [tilespmem:$0x80]  }
0x98: {  	v47 =	vld [tilespmem:$0xD0]  }
0x99: {  	v48 =	vld [tilespmem:$0x40]  }
0x9a: {  	v49 =	vld [tilespmem:$0xB0]  }
0x9b: {  	v50 =	vld [tilespmem:$0x30]  }
0x9c: {  	v51 =	vld [tilespmem:$0x50]  }
0x9d: {  	v52 =	vld [tilespmem:$0xC0]  }
0x9e: {  	v8 =	vld [tilespmem:$0x0]  }
0x9f: {  	v9 =	vld [tilespmem:$0x10]  }
0xa0: {  	v10 =	vld [tilespmem:$0x60]  }
0xa1: {  	v11 =	vld [tilespmem:$0x20]  }
0xa2: {  	v53 =	vld [tilespmem:$0x90];
	vm8 =	vlt.s32 v48, $0x0;
	v3 =	vxor.u32 $0xFFFFFFFF, v48  }
0xa3: {  	v55 =	vld [tilespmem:$0x70];
	vm9 =	vlt.s32 v51, $0x0;
	v6 =	vxor.u32 $0xFFFFFFFF, v51;
	v3 =	vsel vm8, v3, v52  }
0xa4: {  	v56 =	vld [tilespmem:$0xF0];
	vm10 =	vlt.s32 v8, $0x0;
	v54 =	vxor.u32 $0xFFFFFFFF, v8;
	v2 =	vsel vm9, v6, v47;
	[tilespmem:$0x1C0] =	vst v3  }
0xa5: {  	v12 =	vld [tilespmem:$0xA0];
	vm11 =	vlt.s32 v50, $0x0;
	v5 =	vxor.u32 $0xFFFFFFFF, v50;
	v1 =	vsel vm10, v54, v46;
	[tilespmem:$0x1D0] =	vst v2  }
0xa6: {  	vm12 =	vlt.s32 v10, $0x0;
	v58 =	vxor.u32 $0xFFFFFFFF, v10;
	v57 =	vsel vm11, v5, v49;
	[tilespmem:$0x180] =	vst v1  }
0xa7: {  	vm14 =	vlt.s32 v9, $0x0;
	v60 =	vxor.u32 $0xFFFFFFFF, v9;
	v0 =	vsel vm12, v58, v45;
	[tilespmem:$0x1B0] =	vst v57  }
0xa8: {  	vm15 =	vlt.s32 v55, $0x0;
	v62 =	vxor.u32 $0xFFFFFFFF, v55;
	v61 =	vsel vm14, v60, v53;
	[tilespmem:$0x1E0] =	vst v0  }
0xa9: {  	vm13 =	vlt.s32 v11, $0x0;
	v59 =	vxor.u32 $0xFFFFFFFF, v11;
	v63 =	vsel vm15, v62, v56;
	[tilespmem:$0x190] =	vst v61  }
0xaa: {  	v1 =	vsel vm13, v59, v12;
	[tilespmem:$0x1F0] =	vst v63  }
0xab: {  	[tilespmem:$0x1A0] =	vst v1  }
0xac: {  	[tilespmem:s14], [sflag:$0x1] =	stream.indirect.gather [hbm4b:s4+s11], $0x80, s13, s11, $0xb8;
	[tilespmem:$0x4200] =	vst v63  }
0xad: {  	_ =	swait.ge [sflag:s12], $0x4000  }
0xae: {  	s15 =	sadd.s32 $0x1, s15;
	[sflag:s12] =	ssyncset.done $0x0  }
0xaf: {  	p0 =	sne.s32 s15, s6;
	[sflag:s12] =	ssyncadd.s32 $0xFFFFC000  }
0xb0: {  	[hbm4b:s19+s3] =	stream.linear.scatter [tilespmem:s14], [sflag:$0x2], $0x4000, $0x38;
	[tilespmem:$0x4200] =	vst v63  }
.Ltmp3:
0xb1: {  	_ = 	snop;
	(pc) =	sbr.rel @p0 .LBB2_1-.Ltmp3, $4  }
.Ltmp4:
0xb2: {  	_ = 	snop;
	(pc) =	sbr.rel @!p0 .LBB2_7-.Ltmp4, $4  }
0xb3: {  	_ =	swait.ge [sflag:s9], $0x4000  }
0xb4: {  	[sflag:s9] =	ssyncset.done $0x0  }
0xb5: {  	[sflag:s9] =	ssyncadd.s32 $0xFFFFC000  }
0xb6: {  	_ = 	snop  }
.LBB2_3:
.Ltmp5:
0xb7: {  	(pc) =	sbr.rel .LBB2_6-.Ltmp5, $2  }
0xb8: {  	_ =	sdelay $0x2  }
0xb9: {  	s18 =	smov.u32 s7;
	s19 =	smov.u32 s16;
	s21 =	smov.u32 s17  }
.LBB2_7:
0xba: {  	_ =	sfence.sel $0x180000  }
0xbb: {  	[bflag:$0x0] =	sbarrier.arrive $0xFFFF  }
0xbc: {  	p0 =	sne.s32 s0, $0x0;
	_ =	strace $0x90000047  }
0xbd: {  	s0 =	sadd.s32 @!p0 $0x100000, s1;
	[bflag:$0x2] =	sbarrier.arrive $0xFFFF  }
0xbe: {  	[sflag:s0] =	ssyncadd.tile.s32 @!p0 $0x1;
	_ =	shalt  }
.Lfunc_end2:
_tile_overlayer_lowered:
.L_overlay_start_2:
0xbf: {  	(tag) =	ssettag $0x2  }
0xc0: {  	s0 =	rddreg [dreg:$0x0];
	s2 =	stileid.u32  }
0xc1: {  	s1 =	rddreg [dreg:$0x1];
	p0 =	sne.s32 s2, $0x0  }
0xc2: {  	s3 =	rddreg [dreg:$0x2];
	[bflag:$0x3] =	sbarrier.arrive $0xFFFF;
	s2 =	simm.s32 @!p0 $0x1C02  }
0xc3: {  	[timem:s3], [sflag:s2] =	dma.local @!p0 [hbm:s0], s1  }
0xc4: {  	s0 =	simm.s32 @!p0 $0x2  }
0xc5: {  	_ =	swait.ge @!p0 [sflag:s0], s1  }
0xc6: {  	s1 =	ssub.s32 @!p0 $0x0, s1;
	[sflag:s0] =	ssyncset.done @!p0 $0x0  }
0xc7: {  	[sflag:s0] =	ssyncadd.s32 @!p0 s1  }
0xc8: {  	[bflag:$0x3] =	sbarrier.arrive $0xFFFF  }
0xc9: {  	_ =	shalt  }

</sc_bundles>
